<compile_context>
chip_gen: v7x
topology: tpu7x:2x2x1
jax: 0.10.2.dev20260603
libtpu: 0.0.44.dev20260713+nightly
codegen_flags: <defaults>
</compile_context>

<pallas_src>
import functools

import jax
import jax.numpy as jnp
from jax import lax
from jax.experimental import pallas as pl
from jax.experimental.pallas import tpu as pltpu
from jax.experimental.pallas import tpu_sc as plsc

D = 128
G = 1024
NC = 2
NS = 16
NW = NC * NS
SPW = G // NW
NV = D // 16
CHUNK = 256
NEG_BIG = -3.0e38


def _tec_kernel(n_rows, x_hbm, wb_hbm, starts_hbm, out_hbm,
                xbuf, wbuf, svbuf, ssm, sum_ref, max_ref, att_ref, obuf):
    cid = lax.axis_index("c")
    sid = lax.axis_index("s")
    w = cid * NS + sid
    seg_lo = w * SPW

    pltpu.sync_copy(wb_hbm, wbuf)
    pltpu.sync_copy(starts_hbm.at[pl.ds(seg_lo, 48)], svbuf)
    svs = [svbuf[pl.ds(16 * i, 16)] for i in range(3)]
    for i in range(SPW + 1):
        ssm[i] = svs[i // 16][i % 16]

    wv = [wbuf[pl.ds(16 * k, 16)] for k in range(NV)]
    bias = wbuf[pl.ds(D, 16)]

    zeros = jnp.zeros((16,), jnp.float32)
    neg = jnp.full((16,), NEG_BIG, jnp.float32)

    def zero_body(t, _):
        sum_ref[pl.ds(16 * t, 16)] = zeros
        att_ref[pl.ds(16 * t, 16)] = zeros
        max_ref[pl.ds(16 * t, 16)] = neg
        return 0

    lax.fori_loop(0, SPW * NV, zero_body, 0)

    rs = ssm[0]
    re = ssm[SPW]
    rs16 = (rs // 16) * 16
    nchunk = (re - rs16 + CHUNK - 1) // CHUNK

    init = (tuple(zeros for _ in range(NV)),
            tuple(zeros for _ in range(NV)),
            tuple(neg for _ in range(NV)))

    def chunk_body(k, _):
        cbase = rs16 + k * CHUNK
        cstart = jnp.minimum(cbase, n_rows - CHUNK)
        cend = cstart + CHUNK
        pltpu.sync_copy(x_hbm.at[pl.ds(cstart, CHUNK)], xbuf)

        def seg_body(s, _):
            lo = jnp.maximum(ssm[s], cbase)
            hi = jnp.minimum(ssm[s + 1], cend)

            @pl.when(lo < hi)
            def _():
                def row_body(r, carry):
                    sums, atts, mxs = carry
                    rl = r - cstart
                    xs = [xbuf[rl, pl.ds(16 * k2, 16)] for k2 in range(NV)]
                    t = xs[0] * wv[0]
                    for k2 in range(1, NV):
                        t = t + xs[k2] * wv[k2]
                    z = jnp.sum(t)
                    zv = jnp.full((16,), z, jnp.float32) + bias
                    wgt = 1.0 / (1.0 + jnp.exp(-zv))
                    sums = tuple(sums[k2] + xs[k2] for k2 in range(NV))
                    atts = tuple(atts[k2] + xs[k2] * wgt for k2 in range(NV))
                    mxs = tuple(jnp.maximum(mxs[k2], xs[k2])
                                for k2 in range(NV))
                    return (sums, atts, mxs)

                sums, atts, mxs = lax.fori_loop(lo, hi, row_body, init)
                for k2 in range(NV):
                    off = s * D + 16 * k2
                    sum_ref[pl.ds(off, 16)] = sum_ref[pl.ds(off, 16)] + sums[k2]
                    att_ref[pl.ds(off, 16)] = att_ref[pl.ds(off, 16)] + atts[k2]
                    max_ref[pl.ds(off, 16)] = jnp.maximum(
                        max_ref[pl.ds(off, 16)], mxs[k2])

            return 0

        lax.fori_loop(0, SPW, seg_body, 0)
        return 0

    lax.fori_loop(0, nchunk, chunk_body, 0)

    def fin_body(s, _):
        cnt = ssm[s + 1] - ssm[s]
        cntv = jnp.full((16,), cnt, jnp.int32).astype(jnp.float32)
        inv = 1.0 / jnp.maximum(cntv, 1.0)
        has = cnt > 0
        for k2 in range(NV):
            sv = sum_ref[pl.ds(s * D + 16 * k2, 16)]
            obuf[s, pl.ds(16 * k2, 16)] = sv * inv
            mv = max_ref[pl.ds(s * D + 16 * k2, 16)]
            obuf[s, pl.ds(D + 16 * k2, 16)] = jnp.where(has, mv, zeros)
            av = att_ref[pl.ds(s * D + 16 * k2, 16)]
            obuf[s, pl.ds(2 * D + 16 * k2, 16)] = av
        return 0

    lax.fori_loop(0, SPW, fin_body, 0)
    pltpu.sync_copy(obuf, out_hbm.at[pl.ds(seg_lo, SPW)])


def kernel(x, batch, att_w, att_b):
    n = x.shape[0]
    batch32 = batch.astype(jnp.int32)
    bounds = jnp.arange(G + 1, dtype=jnp.int32)
    starts = jnp.searchsorted(batch32, bounds, side="left").astype(jnp.int32)
    starts = jnp.pad(starts, (0, 23))
    wb = jnp.concatenate(
        [att_w[:, 0], jnp.broadcast_to(att_b.astype(jnp.float32), (16,))]
    )

    mesh = plsc.VectorSubcoreMesh(core_axis_name="c", subcore_axis_name="s")
    run = pl.kernel(
        functools.partial(_tec_kernel, n),
        out_type=jax.ShapeDtypeStruct((G, 3 * D), jnp.float32),
        mesh=mesh,
        compiler_params=pltpu.CompilerParams(needs_layout_passes=False),
        scratch_types=[
            pltpu.VMEM((CHUNK, D), jnp.float32),
            pltpu.VMEM((D + 16,), jnp.float32),
            pltpu.VMEM((48,), jnp.int32),
            pltpu.SMEM((48,), jnp.int32),
            pltpu.VMEM((SPW * D,), jnp.float32),
            pltpu.VMEM((SPW * D,), jnp.float32),
            pltpu.VMEM((SPW * D,), jnp.float32),
            pltpu.VMEM((SPW, 3 * D), jnp.float32),
        ],
    )
    return run(x, wb, starts)

# --- scband reference (transcript-rebuilt; emitter-appended) ---
"""Pipeline reference for scband-ensemble-pooling-23063974379776 (READ-ONLY COPY).

The authoritative reference and input builder live on the scoring server;
editing this copy changes nothing except your own understanding.
"""

import jax, jax.numpy as jnp
import numpy as np

N = 100000
D = 128
G = 1024


def setup_inputs(seed: int = 0) -> dict:
    key = jax.random.key(seed)
    k1, k2, k3, k4 = jax.random.split(key, 4)
    x = jax.random.normal(k1, (N, D), dtype=jnp.float32)
    batch = jnp.sort(jax.random.randint(k2, (N,), 0, G, dtype=jnp.int64))
    att_w = jax.random.normal(k3, (D, 1), dtype=jnp.float32) * (1.0 / np.sqrt(D))
    att_b = jax.random.normal(k4, (1,), dtype=jnp.float32) * 0.01
    return {"x": x, "batch": batch, "att_w": att_w, "att_b": att_b}


def reference(x, batch, att_w, att_b):
    num_segments = G
    # global_mean_pool: segment sum / segment counts
    sums = jax.ops.segment_sum(x, batch, num_segments=num_segments)
    counts = jax.ops.segment_sum(jnp.ones((x.shape[0], 1), dtype=x.dtype), batch, num_segments=num_segments)
    mean_pool = sums / jnp.clip(counts, 1.0, None)
    # global_max_pool: segment max (zero out any empty segments for safety)
    max_pool = jax.ops.segment_max(x, batch, num_segments=num_segments)
    max_pool = jnp.where(counts > 0, max_pool, jnp.zeros_like(max_pool))
    # attention-weighted global_add_pool
    weights = jax.nn.sigmoid(x @ att_w + att_b)  # [N, 1]
    att_pool = jax.ops.segment_sum(x * weights, batch, num_segments=num_segments)
    return jnp.concatenate([mean_pool, max_pool, att_pool], axis=-1)

if __name__ == "__main__":
    import jax
    _d = setup_inputs()
    print(jax.jit(kernel)(*tuple(_d.values())))

</pallas_src>

<mosaic_0001>
#map = affine_map<(d0, d1) -> (0, 0)>
#map1 = affine_map<(d0, d1) -> (0)>
module attributes {stable_mosaic.version = 14 : i64} {
  func.func @_tec_kernel(%arg0: i32, %arg1: i32, %arg2: memref<100000x128xf32, #tpu.memory_space<hbm>>, %arg3: memref<144xf32, #tpu.memory_space<hbm>>, %arg4: memref<1048xi32, #tpu.memory_space<hbm>>, %arg5: memref<1024x384xf32, #tpu.memory_space<hbm>>, %arg6: memref<256x128xf32, #tpu.memory_space<vmem>>, %arg7: memref<144xf32, #tpu.memory_space<vmem>>, %arg8: memref<48xi32, #tpu.memory_space<vmem>>, %arg9: memref<48xi32, #tpu.memory_space<smem>>, %arg10: memref<4096xf32, #tpu.memory_space<vmem>>, %arg11: memref<4096xf32, #tpu.memory_space<vmem>>, %arg12: memref<4096xf32, #tpu.memory_space<vmem>>, %arg13: memref<32x384xf32, #tpu.memory_space<vmem>>) attributes {dimension_semantics = [#tpu.dimension_semantics<core_parallel>, #tpu.dimension_semantics<subcore_parallel>], iteration_bounds = array<i64: 2, 16>, scalar_prefetch = 0 : i64, scratch_operands = 8 : i64, tpu.core_type = #tpu.core_type<sc_vector_subcore>, window_params = [{transform_indices = #map}, {transform_indices = #map1}, {transform_indices = #map1}, {transform_indices = #map}]} {
    %mul3A = arith.constant 16 : i32
    %mul3A_0 = arith.muli %arg0, %mul3A : i32
    %add3A = arith.addi %mul3A_0, %arg1 : i32
    %mul3A_1 = arith.constant 32 : i32
    %mul3A_2 = arith.muli %add3A, %mul3A_1 : i32
    "tpu.region"() ({
      %run_scoped3A = tpu.sem_alloc : memref<!tpu.dma_semaphore, #tpu.memory_space<semaphore_mem>>
      tpu.enqueue_dma source(%arg3 : memref<144xf32, #tpu.memory_space<hbm>>) target(%arg7 : memref<144xf32, #tpu.memory_space<vmem>>) target_semaphore(%run_scoped3A : memref<!tpu.dma_semaphore, #tpu.memory_space<semaphore_mem>>)
      tpu.wait_dma2 semaphore(%run_scoped3A : memref<!tpu.dma_semaphore, #tpu.memory_space<semaphore_mem>>) src(%arg3 : memref<144xf32, #tpu.memory_space<hbm>>) dst(%arg7 : memref<144xf32, #tpu.memory_space<vmem>>)
      tpu.yield
    }) : () -> ()
    "tpu.region"() ({
      %run_scoped3A = tpu.sem_alloc : memref<!tpu.dma_semaphore, #tpu.memory_space<semaphore_mem>>
      %dma_start3A = tpu.memref_slice %arg4[%mul3A_2] : memref<1048xi32, #tpu.memory_space<hbm>> -> memref<48xi32, #tpu.memory_space<hbm>>
      %dma_start3A_268 = tpu.memref_slice %arg4[%mul3A_2] : memref<1048xi32, #tpu.memory_space<hbm>> -> memref<48xi32, #tpu.memory_space<hbm>>
      tpu.enqueue_dma source(%dma_start3A_268 : memref<48xi32, #tpu.memory_space<hbm>>) target(%arg8 : memref<48xi32, #tpu.memory_space<vmem>>) target_semaphore(%run_scoped3A : memref<!tpu.dma_semaphore, #tpu.memory_space<semaphore_mem>>)
      %dma_wait3A = tpu.memref_slice %arg4[%mul3A_2] : memref<1048xi32, #tpu.memory_space<hbm>> -> memref<48xi32, #tpu.memory_space<hbm>>
      %dma_wait3A_269 = tpu.memref_slice %arg4[%mul3A_2] : memref<1048xi32, #tpu.memory_space<hbm>> -> memref<48xi32, #tpu.memory_space<hbm>>
      tpu.wait_dma2 semaphore(%run_scoped3A : memref<!tpu.dma_semaphore, #tpu.memory_space<semaphore_mem>>) src(%dma_wait3A_269 : memref<48xi32, #tpu.memory_space<hbm>>) dst(%arg8 : memref<48xi32, #tpu.memory_space<vmem>>)
      tpu.yield
    }) : () -> ()
    %get3A = arith.constant 0 : index
    %get3A_3 = tpu.vector_load %arg8[%get3A] {strides = array<i32>} : memref<48xi32, #tpu.memory_space<vmem>>, vector<16xi32>,
    %get3A_4 = arith.constant 16 : index
    %get3A_5 = tpu.vector_load %arg8[%get3A_4] {strides = array<i32>} : memref<48xi32, #tpu.memory_space<vmem>>, vector<16xi32>,
    %get3A_6 = arith.constant 32 : index
    %get3A_7 = tpu.vector_load %arg8[%get3A_6] {strides = array<i32>} : memref<48xi32, #tpu.memory_space<vmem>>, vector<16xi32>,
    %slice3A = vector.extract_strided_slice %get3A_3 {offsets = [0], sizes = [1], strides = [1]} : vector<16xi32> to vector<1xi32>
    %squeeze3A = vector.extract %slice3A[0] : i32 from vector<1xi32>
    %swap3A = arith.constant 0 : i32
    %swap3A_8 = arith.index_cast %swap3A : i32 to index
    %swap3A_9 = memref.load %arg9[%swap3A_8] : memref<48xi32, #tpu.memory_space<smem>>
    memref.store %squeeze3A, %arg9[%swap3A_8] : memref<48xi32, #tpu.memory_space<smem>>
    %slice3A_10 = vector.extract_strided_slice %get3A_3 {offsets = [1], sizes = [1], strides = [1]} : vector<16xi32> to vector<1xi32>
    %squeeze3A_11 = vector.extract %slice3A_10[0] : i32 from vector<1xi32>
    %swap3A_12 = arith.constant 1 : i32
    %swap3A_13 = arith.index_cast %swap3A_12 : i32 to index
    %swap3A_14 = memref.load %arg9[%swap3A_13] : memref<48xi32, #tpu.memory_space<smem>>
    memref.store %squeeze3A_11, %arg9[%swap3A_13] : memref<48xi32, #tpu.memory_space<smem>>
    %slice3A_15 = vector.extract_strided_slice %get3A_3 {offsets = [2], sizes = [1], strides = [1]} : vector<16xi32> to vector<1xi32>
    %squeeze3A_16 = vector.extract %slice3A_15[0] : i32 from vector<1xi32>
    %swap3A_17 = arith.constant 2 : i32
    %swap3A_18 = arith.index_cast %swap3A_17 : i32 to index
    %swap3A_19 = memref.load %arg9[%swap3A_18] : memref<48xi32, #tpu.memory_space<smem>>
    memref.store %squeeze3A_16, %arg9[%swap3A_18] : memref<48xi32, #tpu.memory_space<smem>>
    %slice3A_20 = vector.extract_strided_slice %get3A_3 {offsets = [3], sizes = [1], strides = [1]} : vector<16xi32> to vector<1xi32>
    %squeeze3A_21 = vector.extract %slice3A_20[0] : i32 from vector<1xi32>
    %swap3A_22 = arith.constant 3 : i32
    %swap3A_23 = arith.index_cast %swap3A_22 : i32 to index
    %swap3A_24 = memref.load %arg9[%swap3A_23] : memref<48xi32, #tpu.memory_space<smem>>
    memref.store %squeeze3A_21, %arg9[%swap3A_23] : memref<48xi32, #tpu.memory_space<smem>>
    %slice3A_25 = vector.extract_strided_slice %get3A_3 {offsets = [4], sizes = [1], strides = [1]} : vector<16xi32> to vector<1xi32>
    %squeeze3A_26 = vector.extract %slice3A_25[0] : i32 from vector<1xi32>
    %swap3A_27 = arith.constant 4 : i32
    %swap3A_28 = arith.index_cast %swap3A_27 : i32 to index
    %swap3A_29 = memref.load %arg9[%swap3A_28] : memref<48xi32, #tpu.memory_space<smem>>
    memref.store %squeeze3A_26, %arg9[%swap3A_28] : memref<48xi32, #tpu.memory_space<smem>>
    %slice3A_30 = vector.extract_strided_slice %get3A_3 {offsets = [5], sizes = [1], strides = [1]} : vector<16xi32> to vector<1xi32>
    %squeeze3A_31 = vector.extract %slice3A_30[0] : i32 from vector<1xi32>
    %swap3A_32 = arith.constant 5 : i32
    %swap3A_33 = arith.index_cast %swap3A_32 : i32 to index
    %swap3A_34 = memref.load %arg9[%swap3A_33] : memref<48xi32, #tpu.memory_space<smem>>
    memref.store %squeeze3A_31, %arg9[%swap3A_33] : memref<48xi32, #tpu.memory_space<smem>>
    %slice3A_35 = vector.extract_strided_slice %get3A_3 {offsets = [6], sizes = [1], strides = [1]} : vector<16xi32> to vector<1xi32>
    %squeeze3A_36 = vector.extract %slice3A_35[0] : i32 from vector<1xi32>
    %swap3A_37 = arith.constant 6 : i32
    %swap3A_38 = arith.index_cast %swap3A_37 : i32 to index
    %swap3A_39 = memref.load %arg9[%swap3A_38] : memref<48xi32, #tpu.memory_space<smem>>
    memref.store %squeeze3A_36, %arg9[%swap3A_38] : memref<48xi32, #tpu.memory_space<smem>>
    %slice3A_40 = vector.extract_strided_slice %get3A_3 {offsets = [7], sizes = [1], strides = [1]} : vector<16xi32> to vector<1xi32>
    %squeeze3A_41 = vector.extract %slice3A_40[0] : i32 from vector<1xi32>
    %swap3A_42 = arith.constant 7 : i32
    %swap3A_43 = arith.index_cast %swap3A_42 : i32 to index
    %swap3A_44 = memref.load %arg9[%swap3A_43] : memref<48xi32, #tpu.memory_space<smem>>
    memref.store %squeeze3A_41, %arg9[%swap3A_43] : memref<48xi32, #tpu.memory_space<smem>>
    %slice3A_45 = vector.extract_strided_slice %get3A_3 {offsets = [8], sizes = [1], strides = [1]} : vector<16xi32> to vector<1xi32>
    %squeeze3A_46 = vector.extract %slice3A_45[0] : i32 from vector<1xi32>
    %swap3A_47 = arith.constant 8 : i32
    %swap3A_48 = arith.index_cast %swap3A_47 : i32 to index
    %swap3A_49 = memref.load %arg9[%swap3A_48] : memref<48xi32, #tpu.memory_space<smem>>
    memref.store %squeeze3A_46, %arg9[%swap3A_48] : memref<48xi32, #tpu.memory_space<smem>>
    %slice3A_50 = vector.extract_strided_slice %get3A_3 {offsets = [9], sizes = [1], strides = [1]} : vector<16xi32> to vector<1xi32>
    %squeeze3A_51 = vector.extract %slice3A_50[0] : i32 from vector<1xi32>
    %swap3A_52 = arith.constant 9 : i32
    %swap3A_53 = arith.index_cast %swap3A_52 : i32 to index
    %swap3A_54 = memref.load %arg9[%swap3A_53] : memref<48xi32, #tpu.memory_space<smem>>
    memref.store %squeeze3A_51, %arg9[%swap3A_53] : memref<48xi32, #tpu.memory_space<smem>>
    %slice3A_55 = vector.extract_strided_slice %get3A_3 {offsets = [10], sizes = [1], strides = [1]} : vector<16xi32> to vector<1xi32>
    %squeeze3A_56 = vector.extract %slice3A_55[0] : i32 from vector<1xi32>
    %swap3A_57 = arith.constant 10 : i32
    %swap3A_58 = arith.index_cast %swap3A_57 : i32 to index
    %swap3A_59 = memref.load %arg9[%swap3A_58] : memref<48xi32, #tpu.memory_space<smem>>
    memref.store %squeeze3A_56, %arg9[%swap3A_58] : memref<48xi32, #tpu.memory_space<smem>>
    %slice3A_60 = vector.extract_strided_slice %get3A_3 {offsets = [11], sizes = [1], strides = [1]} : vector<16xi32> to vector<1xi32>
    %squeeze3A_61 = vector.extract %slice3A_60[0] : i32 from vector<1xi32>
    %swap3A_62 = arith.constant 11 : i32
    %swap3A_63 = arith.index_cast %swap3A_62 : i32 to index
    %swap3A_64 = memref.load %arg9[%swap3A_63] : memref<48xi32, #tpu.memory_space<smem>>
    memref.store %squeeze3A_61, %arg9[%swap3A_63] : memref<48xi32, #tpu.memory_space<smem>>
    %slice3A_65 = vector.extract_strided_slice %get3A_3 {offsets = [12], sizes = [1], strides = [1]} : vector<16xi32> to vector<1xi32>
    %squeeze3A_66 = vector.extract %slice3A_65[0] : i32 from vector<1xi32>
    %swap3A_67 = arith.constant 12 : i32
    %swap3A_68 = arith.index_cast %swap3A_67 : i32 to index
    %swap3A_69 = memref.load %arg9[%swap3A_68] : memref<48xi32, #tpu.memory_space<smem>>
    memref.store %squeeze3A_66, %arg9[%swap3A_68] : memref<48xi32, #tpu.memory_space<smem>>
    %slice3A_70 = vector.extract_strided_slice %get3A_3 {offsets = [13], sizes = [1], strides = [1]} : vector<16xi32> to vector<1xi32>
    %squeeze3A_71 = vector.extract %slice3A_70[0] : i32 from vector<1xi32>
    %swap3A_72 = arith.constant 13 : i32
    %swap3A_73 = arith.index_cast %swap3A_72 : i32 to index
    %swap3A_74 = memref.load %arg9[%swap3A_73] : memref<48xi32, #tpu.memory_space<smem>>
    memref.store %squeeze3A_71, %arg9[%swap3A_73] : memref<48xi32, #tpu.memory_space<smem>>
    %slice3A_75 = vector.extract_strided_slice %get3A_3 {offsets = [14], sizes = [1], strides = [1]} : vector<16xi32> to vector<1xi32>
    %squeeze3A_76 = vector.extract %slice3A_75[0] : i32 from vector<1xi32>
    %swap3A_77 = arith.constant 14 : i32
    %swap3A_78 = arith.index_cast %swap3A_77 : i32 to index
    %swap3A_79 = memref.load %arg9[%swap3A_78] : memref<48xi32, #tpu.memory_space<smem>>
    memref.store %squeeze3A_76, %arg9[%swap3A_78] : memref<48xi32, #tpu.memory_space<smem>>
    %slice3A_80 = vector.extract_strided_slice %get3A_3 {offsets = [15], sizes = [1], strides = [1]} : vector<16xi32> to vector<1xi32>
    %squeeze3A_81 = vector.extract %slice3A_80[0] : i32 from vector<1xi32>
    %swap3A_82 = arith.constant 15 : i32
    %swap3A_83 = arith.index_cast %swap3A_82 : i32 to index
    %swap3A_84 = memref.load %arg9[%swap3A_83] : memref<48xi32, #tpu.memory_space<smem>>
    memref.store %squeeze3A_81, %arg9[%swap3A_83] : memref<48xi32, #tpu.memory_space<smem>>
    %slice3A_85 = vector.extract_strided_slice %get3A_5 {offsets = [0], sizes = [1], strides = [1]} : vector<16xi32> to vector<1xi32>
    %squeeze3A_86 = vector.extract %slice3A_85[0] : i32 from vector<1xi32>
    %swap3A_87 = arith.constant 16 : i32
    %swap3A_88 = arith.index_cast %swap3A_87 : i32 to index
    %swap3A_89 = memref.load %arg9[%swap3A_88] : memref<48xi32, #tpu.memory_space<smem>>
    memref.store %squeeze3A_86, %arg9[%swap3A_88] : memref<48xi32, #tpu.memory_space<smem>>
    %slice3A_90 = vector.extract_strided_slice %get3A_5 {offsets = [1], sizes = [1], strides = [1]} : vector<16xi32> to vector<1xi32>
    %squeeze3A_91 = vector.extract %slice3A_90[0] : i32 from vector<1xi32>
    %swap3A_92 = arith.constant 17 : i32
    %swap3A_93 = arith.index_cast %swap3A_92 : i32 to index
    %swap3A_94 = memref.load %arg9[%swap3A_93] : memref<48xi32, #tpu.memory_space<smem>>
    memref.store %squeeze3A_91, %arg9[%swap3A_93] : memref<48xi32, #tpu.memory_space<smem>>
    %slice3A_95 = vector.extract_strided_slice %get3A_5 {offsets = [2], sizes = [1], strides = [1]} : vector<16xi32> to vector<1xi32>
    %squeeze3A_96 = vector.extract %slice3A_95[0] : i32 from vector<1xi32>
    %swap3A_97 = arith.constant 18 : i32
    %swap3A_98 = arith.index_cast %swap3A_97 : i32 to index
    %swap3A_99 = memref.load %arg9[%swap3A_98] : memref<48xi32, #tpu.memory_space<smem>>
    memref.store %squeeze3A_96, %arg9[%swap3A_98] : memref<48xi32, #tpu.memory_space<smem>>
    %slice3A_100 = vector.extract_strided_slice %get3A_5 {offsets = [3], sizes = [1], strides = [1]} : vector<16xi32> to vector<1xi32>
    %squeeze3A_101 = vector.extract %slice3A_100[0] : i32 from vector<1xi32>
    %swap3A_102 = arith.constant 19 : i32
    %swap3A_103 = arith.index_cast %swap3A_102 : i32 to index
    %swap3A_104 = memref.load %arg9[%swap3A_103] : memref<48xi32, #tpu.memory_space<smem>>
    memref.store %squeeze3A_101, %arg9[%swap3A_103] : memref<48xi32, #tpu.memory_space<smem>>
    %slice3A_105 = vector.extract_strided_slice %get3A_5 {offsets = [4], sizes = [1], strides = [1]} : vector<16xi32> to vector<1xi32>
    %squeeze3A_106 = vector.extract %slice3A_105[0] : i32 from vector<1xi32>
    %swap3A_107 = arith.constant 20 : i32
    %swap3A_108 = arith.index_cast %swap3A_107 : i32 to index
    %swap3A_109 = memref.load %arg9[%swap3A_108] : memref<48xi32, #tpu.memory_space<smem>>
    memref.store %squeeze3A_106, %arg9[%swap3A_108] : memref<48xi32, #tpu.memory_space<smem>>
    %slice3A_110 = vector.extract_strided_slice %get3A_5 {offsets = [5], sizes = [1], strides = [1]} : vector<16xi32> to vector<1xi32>
    %squeeze3A_111 = vector.extract %slice3A_110[0] : i32 from vector<1xi32>
    %swap3A_112 = arith.constant 21 : i32
    %swap3A_113 = arith.index_cast %swap3A_112 : i32 to index
    %swap3A_114 = memref.load %arg9[%swap3A_113] : memref<48xi32, #tpu.memory_space<smem>>
    memref.store %squeeze3A_111, %arg9[%swap3A_113] : memref<48xi32, #tpu.memory_space<smem>>
    %slice3A_115 = vector.extract_strided_slice %get3A_5 {offsets = [6], sizes = [1], strides = [1]} : vector<16xi32> to vector<1xi32>
    %squeeze3A_116 = vector.extract %slice3A_115[0] : i32 from vector<1xi32>
    %swap3A_117 = arith.constant 22 : i32
    %swap3A_118 = arith.index_cast %swap3A_117 : i32 to index
    %swap3A_119 = memref.load %arg9[%swap3A_118] : memref<48xi32, #tpu.memory_space<smem>>
    memref.store %squeeze3A_116, %arg9[%swap3A_118] : memref<48xi32, #tpu.memory_space<smem>>
    %slice3A_120 = vector.extract_strided_slice %get3A_5 {offsets = [7], sizes = [1], strides = [1]} : vector<16xi32> to vector<1xi32>
    %squeeze3A_121 = vector.extract %slice3A_120[0] : i32 from vector<1xi32>
    %swap3A_122 = arith.constant 23 : i32
    %swap3A_123 = arith.index_cast %swap3A_122 : i32 to index
    %swap3A_124 = memref.load %arg9[%swap3A_123] : memref<48xi32, #tpu.memory_space<smem>>
    memref.store %squeeze3A_121, %arg9[%swap3A_123] : memref<48xi32, #tpu.memory_space<smem>>
    %slice3A_125 = vector.extract_strided_slice %get3A_5 {offsets = [8], sizes = [1], strides = [1]} : vector<16xi32> to vector<1xi32>
    %squeeze3A_126 = vector.extract %slice3A_125[0] : i32 from vector<1xi32>
    %swap3A_127 = arith.constant 24 : i32
    %swap3A_128 = arith.index_cast %swap3A_127 : i32 to index
    %swap3A_129 = memref.load %arg9[%swap3A_128] : memref<48xi32, #tpu.memory_space<smem>>
    memref.store %squeeze3A_126, %arg9[%swap3A_128] : memref<48xi32, #tpu.memory_space<smem>>
    %slice3A_130 = vector.extract_strided_slice %get3A_5 {offsets = [9], sizes = [1], strides = [1]} : vector<16xi32> to vector<1xi32>
    %squeeze3A_131 = vector.extract %slice3A_130[0] : i32 from vector<1xi32>
    %swap3A_132 = arith.constant 25 : i32
    %swap3A_133 = arith.index_cast %swap3A_132 : i32 to index
    %swap3A_134 = memref.load %arg9[%swap3A_133] : memref<48xi32, #tpu.memory_space<smem>>
    memref.store %squeeze3A_131, %arg9[%swap3A_133] : memref<48xi32, #tpu.memory_space<smem>>
    %slice3A_135 = vector.extract_strided_slice %get3A_5 {offsets = [10], sizes = [1], strides = [1]} : vector<16xi32> to vector<1xi32>
    %squeeze3A_136 = vector.extract %slice3A_135[0] : i32 from vector<1xi32>
    %swap3A_137 = arith.constant 26 : i32
    %swap3A_138 = arith.index_cast %swap3A_137 : i32 to index
    %swap3A_139 = memref.load %arg9[%swap3A_138] : memref<48xi32, #tpu.memory_space<smem>>
    memref.store %squeeze3A_136, %arg9[%swap3A_138] : memref<48xi32, #tpu.memory_space<smem>>
    %slice3A_140 = vector.extract_strided_slice %get3A_5 {offsets = [11], sizes = [1], strides = [1]} : vector<16xi32> to vector<1xi32>
    %squeeze3A_141 = vector.extract %slice3A_140[0] : i32 from vector<1xi32>
    %swap3A_142 = arith.constant 27 : i32
    %swap3A_143 = arith.index_cast %swap3A_142 : i32 to index
    %swap3A_144 = memref.load %arg9[%swap3A_143] : memref<48xi32, #tpu.memory_space<smem>>
    memref.store %squeeze3A_141, %arg9[%swap3A_143] : memref<48xi32, #tpu.memory_space<smem>>
    %slice3A_145 = vector.extract_strided_slice %get3A_5 {offsets = [12], sizes = [1], strides = [1]} : vector<16xi32> to vector<1xi32>
    %squeeze3A_146 = vector.extract %slice3A_145[0] : i32 from vector<1xi32>
    %swap3A_147 = arith.constant 28 : i32
    %swap3A_148 = arith.index_cast %swap3A_147 : i32 to index
    %swap3A_149 = memref.load %arg9[%swap3A_148] : memref<48xi32, #tpu.memory_space<smem>>
    memref.store %squeeze3A_146, %arg9[%swap3A_148] : memref<48xi32, #tpu.memory_space<smem>>
    %slice3A_150 = vector.extract_strided_slice %get3A_5 {offsets = [13], sizes = [1], strides = [1]} : vector<16xi32> to vector<1xi32>
    %squeeze3A_151 = vector.extract %slice3A_150[0] : i32 from vector<1xi32>
    %swap3A_152 = arith.constant 29 : i32
    %swap3A_153 = arith.index_cast %swap3A_152 : i32 to index
    %swap3A_154 = memref.load %arg9[%swap3A_153] : memref<48xi32, #tpu.memory_space<smem>>
    memref.store %squeeze3A_151, %arg9[%swap3A_153] : memref<48xi32, #tpu.memory_space<smem>>
    %slice3A_155 = vector.extract_strided_slice %get3A_5 {offsets = [14], sizes = [1], strides = [1]} : vector<16xi32> to vector<1xi32>
    %squeeze3A_156 = vector.extract %slice3A_155[0] : i32 from vector<1xi32>
    %swap3A_157 = arith.constant 30 : i32
    %swap3A_158 = arith.index_cast %swap3A_157 : i32 to index
    %swap3A_159 = memref.load %arg9[%swap3A_158] : memref<48xi32, #tpu.memory_space<smem>>
    memref.store %squeeze3A_156, %arg9[%swap3A_158] : memref<48xi32, #tpu.memory_space<smem>>
    %slice3A_160 = vector.extract_strided_slice %get3A_5 {offsets = [15], sizes = [1], strides = [1]} : vector<16xi32> to vector<1xi32>
    %squeeze3A_161 = vector.extract %slice3A_160[0] : i32 from vector<1xi32>
    %swap3A_162 = arith.constant 31 : i32
    %swap3A_163 = arith.index_cast %swap3A_162 : i32 to index
    %swap3A_164 = memref.load %arg9[%swap3A_163] : memref<48xi32, #tpu.memory_space<smem>>
    memref.store %squeeze3A_161, %arg9[%swap3A_163] : memref<48xi32, #tpu.memory_space<smem>>
    %slice3A_165 = vector.extract_strided_slice %get3A_7 {offsets = [0], sizes = [1], strides = [1]} : vector<16xi32> to vector<1xi32>
    %squeeze3A_166 = vector.extract %slice3A_165[0] : i32 from vector<1xi32>
    %swap3A_167 = arith.constant 32 : i32
    %swap3A_168 = arith.index_cast %swap3A_167 : i32 to index
    %swap3A_169 = memref.load %arg9[%swap3A_168] : memref<48xi32, #tpu.memory_space<smem>>
    memref.store %squeeze3A_166, %arg9[%swap3A_168] : memref<48xi32, #tpu.memory_space<smem>>
    %get3A_170 = arith.constant 0 : index
    %get3A_171 = tpu.vector_load %arg7[%get3A_170] {strides = array<i32>} : memref<144xf32, #tpu.memory_space<vmem>>, vector<16xf32>,
    %get3A_172 = arith.constant 16 : index
    %get3A_173 = tpu.vector_load %arg7[%get3A_172] {strides = array<i32>} : memref<144xf32, #tpu.memory_space<vmem>>, vector<16xf32>,
    %get3A_174 = arith.constant 32 : index
    %get3A_175 = tpu.vector_load %arg7[%get3A_174] {strides = array<i32>} : memref<144xf32, #tpu.memory_space<vmem>>, vector<16xf32>,
    %get3A_176 = arith.constant 48 : index
    %get3A_177 = tpu.vector_load %arg7[%get3A_176] {strides = array<i32>} : memref<144xf32, #tpu.memory_space<vmem>>, vector<16xf32>,
    %get3A_178 = arith.constant 64 : index
    %get3A_179 = tpu.vector_load %arg7[%get3A_178] {strides = array<i32>} : memref<144xf32, #tpu.memory_space<vmem>>, vector<16xf32>,
    %get3A_180 = arith.constant 80 : index
    %get3A_181 = tpu.vector_load %arg7[%get3A_180] {strides = array<i32>} : memref<144xf32, #tpu.memory_space<vmem>>, vector<16xf32>,
    %get3A_182 = arith.constant 96 : index
    %get3A_183 = tpu.vector_load %arg7[%get3A_182] {strides = array<i32>} : memref<144xf32, #tpu.memory_space<vmem>>, vector<16xf32>,
    %get3A_184 = arith.constant 112 : index
    %get3A_185 = tpu.vector_load %arg7[%get3A_184] {strides = array<i32>} : memref<144xf32, #tpu.memory_space<vmem>>, vector<16xf32>,
    %get3A_186 = arith.constant 128 : index
    %get3A_187 = tpu.vector_load %arg7[%get3A_186] {strides = array<i32>} : memref<144xf32, #tpu.memory_space<vmem>>, vector<16xf32>,
    %broadcast_in_dim3A = arith.constant 0.000000e+00 : f32
    %broadcast_in_dim3A_188 = vector.broadcast %broadcast_in_dim3A : f32 to vector<16xf32>
    %broadcast_in_dim3A_189 = arith.constant -3.000000e+38 : f32
    %broadcast_in_dim3A_190 = vector.broadcast %broadcast_in_dim3A_189 : f32 to vector<16xf32>
    %scan3A = arith.constant 0 : i32
    %scan3A_191 = arith.constant 0 : i32
    %scan3A_192 = arith.constant 256 : i32
    %scan3A_193 = arith.addi %scan3A_191, %scan3A_192 : i32
    %scan3A_194 = arith.constant 1 : i32
    %scan3A_195 = scf.for %scan3A_268 = %scan3A_191 to %scan3A_193 step %scan3A_194 iter_args(%scan3A_269 = %scan3A) -> (i32)  : i32 {
      %mul3A_270 = arith.constant 16 : i32
      %mul3A_271 = arith.muli %mul3A_270, %scan3A_268 : i32
      %swap3A_272 = arith.index_cast %mul3A_271 : i32 to index
      %swap3A_273 = tpu.vector_load %arg10[%swap3A_272] {strides = array<i32>} : memref<4096xf32, #tpu.memory_space<vmem>>, vector<16xf32>,
      tpu.vector_store %arg10[%swap3A_272], %broadcast_in_dim3A_188 {strides = array<i32>} : memref<4096xf32, #tpu.memory_space<vmem>>, vector<16xf32>,
      %mul3A_274 = arith.constant 16 : i32
      %mul3A_275 = arith.muli %mul3A_274, %scan3A_268 : i32
      %swap3A_276 = arith.index_cast %mul3A_275 : i32 to index
      %swap3A_277 = tpu.vector_load %arg12[%swap3A_276] {strides = array<i32>} : memref<4096xf32, #tpu.memory_space<vmem>>, vector<16xf32>,
      tpu.vector_store %arg12[%swap3A_276], %broadcast_in_dim3A_188 {strides = array<i32>} : memref<4096xf32, #tpu.memory_space<vmem>>, vector<16xf32>,
      %mul3A_278 = arith.constant 16 : i32
      %mul3A_279 = arith.muli %mul3A_278, %scan3A_268 : i32
      %swap3A_280 = arith.index_cast %mul3A_279 : i32 to index
      %swap3A_281 = tpu.vector_load %arg11[%swap3A_280] {strides = array<i32>} : memref<4096xf32, #tpu.memory_space<vmem>>, vector<16xf32>,
      tpu.vector_store %arg11[%swap3A_280], %broadcast_in_dim3A_190 {strides = array<i32>} : memref<4096xf32, #tpu.memory_space<vmem>>, vector<16xf32>,
      %scan3A_282 = arith.constant 0 : i32
      scf.yield %scan3A_282 : i32
    }
    %scan3A_196 = arith.constant 256 : i32
    %get3A_197 = arith.constant 0 : i32
    %get3A_198 = arith.index_cast %get3A_197 : i32 to index
    %get3A_199 = memref.load %arg9[%get3A_198] : memref<48xi32, #tpu.memory_space<smem>>
    %get3A_200 = arith.constant 32 : i32
    %get3A_201 = arith.index_cast %get3A_200 : i32 to index
    %get3A_202 = memref.load %arg9[%get3A_201] : memref<48xi32, #tpu.memory_space<smem>>
    %jit3A = arith.constant 16 : i32
    %div3A = arith.divsi %get3A_199, %jit3A : i32
    %sign3A = arith.constant 0 : i32
    %sign3A_203 = arith.cmpi sgt, %get3A_199, %sign3A : i32
    %sign3A_204 = arith.extui %sign3A_203 : i1 to i32
    %sign3A_205 = arith.constant 0 : i32
    %sign3A_206 = arith.cmpi slt, %get3A_199, %sign3A_205 : i32
    %sign3A_207 = arith.extui %sign3A_206 : i1 to i32
    %sign3A_208 = arith.subi %sign3A_204, %sign3A_207 : i32
    %sign3A_209 = arith.constant 0 : i32
    %sign3A_210 = arith.cmpi sgt, %jit3A, %sign3A_209 : i32
    %sign3A_211 = arith.extui %sign3A_210 : i1 to i32
    %sign3A_212 = arith.constant 0 : i32
    %sign3A_213 = arith.cmpi slt, %jit3A, %sign3A_212 : i32
    %sign3A_214 = arith.extui %sign3A_213 : i1 to i32
    %sign3A_215 = arith.subi %sign3A_211, %sign3A_214 : i32
    %ne3A = arith.cmpi ne, %sign3A_208, %sign3A_215 : i32
    %rem3A = arith.remsi %get3A_199, %jit3A : i32
    %ne3A_216 = arith.constant 0 : i32
    %ne3A_217 = arith.cmpi ne, %rem3A, %ne3A_216 : i32
    %and3A = arith.andi %ne3A, %ne3A_217 : i1
    %sub3A = arith.constant 1 : i32
    %sub3A_218 = arith.subi %div3A, %sub3A : i32
    %select_n3A = arith.select %and3A, %sub3A_218, %div3A : i32
    %mul3A_219 = arith.constant 16 : i32
    %mul3A_220 = arith.muli %select_n3A, %mul3A_219 : i32
    %sub3A_221 = arith.subi %get3A_202, %mul3A_220 : i32
    %add3A_222 = arith.constant 256 : i32
    %add3A_223 = arith.addi %sub3A_221, %add3A_222 : i32
    %sub3A_224 = arith.constant 1 : i32
    %sub3A_225 = arith.subi %add3A_223, %sub3A_224 : i32
    %jit3A_226 = arith.constant 256 : i32
    %div3A_227 = arith.divsi %sub3A_225, %jit3A_226 : i32
    %sign3A_228 = arith.constant 0 : i32
    %sign3A_229 = arith.cmpi sgt, %sub3A_225, %sign3A_228 : i32
    %sign3A_230 = arith.extui %sign3A_229 : i1 to i32
    %sign3A_231 = arith.constant 0 : i32
    %sign3A_232 = arith.cmpi slt, %sub3A_225, %sign3A_231 : i32
    %sign3A_233 = arith.extui %sign3A_232 : i1 to i32
    %sign3A_234 = arith.subi %sign3A_230, %sign3A_233 : i32
    %sign3A_235 = arith.constant 0 : i32
    %sign3A_236 = arith.cmpi sgt, %jit3A_226, %sign3A_235 : i32
    %sign3A_237 = arith.extui %sign3A_236 : i1 to i32
    %sign3A_238 = arith.constant 0 : i32
    %sign3A_239 = arith.cmpi slt, %jit3A_226, %sign3A_238 : i32
    %sign3A_240 = arith.extui %sign3A_239 : i1 to i32
    %sign3A_241 = arith.subi %sign3A_237, %sign3A_240 : i32
    %ne3A_242 = arith.cmpi ne, %sign3A_234, %sign3A_241 : i32
    %rem3A_243 = arith.remsi %sub3A_225, %jit3A_226 : i32
    %ne3A_244 = arith.constant 0 : i32
    %ne3A_245 = arith.cmpi ne, %rem3A_243, %ne3A_244 : i32
    %and3A_246 = arith.andi %ne3A_242, %ne3A_245 : i1
    %sub3A_247 = arith.constant 1 : i32
    %sub3A_248 = arith.subi %div3A_227, %sub3A_247 : i32
    %select_n3A_249 = arith.select %and3A_246, %sub3A_248, %div3A_227 : i32
    %while3A = arith.constant 0 : i32
    %while3A_250 = arith.constant 0 : i32
    %while3A_251 = arith.subi %select_n3A_249, %while3A : i32
    %while3A_252 = arith.addi %while3A, %while3A_251 : i32
    %while3A_253 = arith.constant 1 : i32
    %while3A_254 = arith.divsi %while3A_251, %while3A_253 : i32
    %while3A_255 = arith.muli %while3A_254, %while3A_253 : i32
    %while3A_256 = arith.addi %while3A, %while3A_255 : i32
    %while3A_257 = arith.constant 1 : i32
    %while3A_258 = scf.for %while3A_268 = %while3A to %while3A_256 step %while3A_257 iter_args(%while3A_269 = %while3A_250) -> (i32)  : i32 {
      %mul3A_270 = arith.constant 256 : i32
      %mul3A_271 = arith.muli %while3A_268, %mul3A_270 : i32
      %add3A_272 = arith.addi %mul3A_220, %mul3A_271 : i32
      %min3A = arith.constant 99744 : i32
      %min3A_273 = arith.minsi %add3A_272, %min3A : i32
      %add3A_274 = arith.constant 256 : i32
      %add3A_275 = arith.addi %min3A_273, %add3A_274 : i32
      "tpu.region"() ({
        %run_scoped3A = tpu.sem_alloc : memref<!tpu.dma_semaphore, #tpu.memory_space<semaphore_mem>>
        %dma_start3A = arith.constant 0 : i32
        %dma_start3A_284 = tpu.memref_slice %arg2[%min3A_273, %dma_start3A] : memref<100000x128xf32, #tpu.memory_space<hbm>> -> memref<256x128xf32, #tpu.memory_space<hbm>>
        %dma_start3A_285 = arith.constant 0 : i32
        %dma_start3A_286 = tpu.memref_slice %arg2[%min3A_273, %dma_start3A_285] : memref<100000x128xf32, #tpu.memory_space<hbm>> -> memref<256x128xf32, #tpu.memory_space<hbm>>
        tpu.enqueue_dma source(%dma_start3A_286 : memref<256x128xf32, #tpu.memory_space<hbm>>) target(%arg6 : memref<256x128xf32, #tpu.memory_space<vmem>>) target_semaphore(%run_scoped3A : memref<!tpu.dma_semaphore, #tpu.memory_space<semaphore_mem>>)
        %dma_wait3A = arith.constant 0 : i32
        %dma_wait3A_287 = tpu.memref_slice %arg2[%min3A_273, %dma_wait3A] : memref<100000x128xf32, #tpu.memory_space<hbm>> -> memref<256x128xf32, #tpu.memory_space<hbm>>
        %dma_wait3A_288 = arith.constant 0 : i32
        %dma_wait3A_289 = tpu.memref_slice %arg2[%min3A_273, %dma_wait3A_288] : memref<100000x128xf32, #tpu.memory_space<hbm>> -> memref<256x128xf32, #tpu.memory_space<hbm>>
        tpu.wait_dma2 semaphore(%run_scoped3A : memref<!tpu.dma_semaphore, #tpu.memory_space<semaphore_mem>>) src(%dma_wait3A_289 : memref<256x128xf32, #tpu.memory_space<hbm>>) dst(%arg6 : memref<256x128xf32, #tpu.memory_space<vmem>>)
        tpu.yield
      }) : () -> ()
      %scan3A_276 = arith.constant 0 : i32
      %scan3A_277 = arith.constant 0 : i32
      %scan3A_278 = arith.constant 32 : i32
      %scan3A_279 = arith.addi %scan3A_277, %scan3A_278 : i32
      %scan3A_280 = arith.constant 1 : i32
      %scan3A_281 = scf.for %scan3A_284 = %scan3A_277 to %scan3A_279 step %scan3A_280 iter_args(%scan3A_285 = %scan3A_276) -> (i32)  : i32 {
        %get3A_286 = arith.index_cast %scan3A_284 : i32 to index
        %get3A_287 = memref.load %arg9[%get3A_286] : memref<48xi32, #tpu.memory_space<smem>>
        %max3A = arith.maxsi %get3A_287, %add3A_272 : i32
        %add3A_288 = arith.constant 1 : i32
        %add3A_289 = arith.addi %scan3A_284, %add3A_288 : i32
        %get3A_290 = arith.index_cast %add3A_289 : i32 to index
        %get3A_291 = memref.load %arg9[%get3A_290] : memref<48xi32, #tpu.memory_space<smem>>
        %min3A_292 = arith.minsi %get3A_291, %add3A_275 : i32
        %lt3A = arith.cmpi slt, %max3A, %min3A_292 : i32
        %convert_element_type3A = arith.extui %lt3A : i1 to i32
        %cond3A = arith.constant 0 : i32
        %cond3A_293 = arith.cmpi ne, %convert_element_type3A, %cond3A : i32
        scf.if %cond3A_293 {
          %while3A_295 = arith.subi %min3A_292, %max3A : i32
          %while3A_296 = arith.addi %max3A, %while3A_295 : i32
          %while3A_297 = arith.constant 1 : i32
          %while3A_298 = arith.divsi %while3A_295, %while3A_297 : i32
          %while3A_299 = arith.muli %while3A_298, %while3A_297 : i32
          %while3A_300 = arith.addi %max3A, %while3A_299 : i32
          %while3A_301 = arith.constant 1 : i32
          %while3A_302:24 = scf.for %while3A_457 = %max3A to %while3A_300 step %while3A_301 iter_args(%while3A_458 = %broadcast_in_dim3A_188, %while3A_459 = %broadcast_in_dim3A_188, %while3A_460 = %broadcast_in_dim3A_188, %while3A_461 = %broadcast_in_dim3A_188, %while3A_462 = %broadcast_in_dim3A_188, %while3A_463 = %broadcast_in_dim3A_188, %while3A_464 = %broadcast_in_dim3A_188, %while3A_465 = %broadcast_in_dim3A_188, %while3A_466 = %broadcast_in_dim3A_188, %while3A_467 = %broadcast_in_dim3A_188, %while3A_468 = %broadcast_in_dim3A_188, %while3A_469 = %broadcast_in_dim3A_188, %while3A_470 = %broadcast_in_dim3A_188, %while3A_471 = %broadcast_in_dim3A_188, %while3A_472 = %broadcast_in_dim3A_188, %while3A_473 = %broadcast_in_dim3A_188, %while3A_474 = %broadcast_in_dim3A_190, %while3A_475 = %broadcast_in_dim3A_190, %while3A_476 = %broadcast_in_dim3A_190, %while3A_477 = %broadcast_in_dim3A_190, %while3A_478 = %broadcast_in_dim3A_190, %while3A_479 = %broadcast_in_dim3A_190, %while3A_480 = %broadcast_in_dim3A_190, %while3A_481 = %broadcast_in_dim3A_190) -> (vector<16xf32>, vector<16xf32>, vector<16xf32>, vector<16xf32>, vector<16xf32>, vector<16xf32>, vector<16xf32>, vector<16xf32>, vector<16xf32>, vector<16xf32>, vector<16xf32>, vector<16xf32>, vector<16xf32>, vector<16xf32>, vector<16xf32>, vector<16xf32>, vector<16xf32>, vector<16xf32>, vector<16xf32>, vector<16xf32>, vector<16xf32>, vector<16xf32>, vector<16xf32>, vector<16xf32>)  : i32 {
            %sub3A_482 = arith.subi %while3A_457, %min3A_273 : i32
            %get3A_483 = arith.index_cast %sub3A_482 : i32 to index
            %get3A_484 = arith.constant 0 : index
            %get3A_485 = tpu.vector_load %arg6[%get3A_483, %get3A_484] {strides = array<i32>} : memref<256x128xf32, #tpu.memory_space<vmem>>, vector<16xf32>,
            %get3A_486 = arith.index_cast %sub3A_482 : i32 to index
            %get3A_487 = arith.constant 16 : index
            %get3A_488 = tpu.vector_load %arg6[%get3A_486, %get3A_487] {strides = array<i32>} : memref<256x128xf32, #tpu.memory_space<vmem>>, vector<16xf32>,
            %get3A_489 = arith.index_cast %sub3A_482 : i32 to index
            %get3A_490 = arith.constant 32 : index
            %get3A_491 = tpu.vector_load %arg6[%get3A_489, %get3A_490] {strides = array<i32>} : memref<256x128xf32, #tpu.memory_space<vmem>>, vector<16xf32>,
            %get3A_492 = arith.index_cast %sub3A_482 : i32 to index
            %get3A_493 = arith.constant 48 : index
            %get3A_494 = tpu.vector_load %arg6[%get3A_492, %get3A_493] {strides = array<i32>} : memref<256x128xf32, #tpu.memory_space<vmem>>, vector<16xf32>,
            %get3A_495 = arith.index_cast %sub3A_482 : i32 to index
            %get3A_496 = arith.constant 64 : index
            %get3A_497 = tpu.vector_load %arg6[%get3A_495, %get3A_496] {strides = array<i32>} : memref<256x128xf32, #tpu.memory_space<vmem>>, vector<16xf32>,
            %get3A_498 = arith.index_cast %sub3A_482 : i32 to index
            %get3A_499 = arith.constant 80 : index
            %get3A_500 = tpu.vector_load %arg6[%get3A_498, %get3A_499] {strides = array<i32>} : memref<256x128xf32, #tpu.memory_space<vmem>>, vector<16xf32>,
            %get3A_501 = arith.index_cast %sub3A_482 : i32 to index
            %get3A_502 = arith.constant 96 : index
            %get3A_503 = tpu.vector_load %arg6[%get3A_501, %get3A_502] {strides = array<i32>} : memref<256x128xf32, #tpu.memory_space<vmem>>, vector<16xf32>,
            %get3A_504 = arith.index_cast %sub3A_482 : i32 to index
            %get3A_505 = arith.constant 112 : index
            %get3A_506 = tpu.vector_load %arg6[%get3A_504, %get3A_505] {strides = array<i32>} : memref<256x128xf32, #tpu.memory_space<vmem>>, vector<16xf32>,
            %mul3A_507 = arith.mulf %get3A_485, %get3A_171 : vector<16xf32>
            %mul3A_508 = arith.mulf %get3A_488, %get3A_173 : vector<16xf32>
            %add3A_509 = arith.addf %mul3A_507, %mul3A_508 : vector<16xf32>
            %mul3A_510 = arith.mulf %get3A_491, %get3A_175 : vector<16xf32>
            %add3A_511 = arith.addf %add3A_509, %mul3A_510 : vector<16xf32>
            %mul3A_512 = arith.mulf %get3A_494, %get3A_177 : vector<16xf32>
            %add3A_513 = arith.addf %add3A_511, %mul3A_512 : vector<16xf32>
            %mul3A_514 = arith.mulf %get3A_497, %get3A_179 : vector<16xf32>
            %add3A_515 = arith.addf %add3A_513, %mul3A_514 : vector<16xf32>
            %mul3A_516 = arith.mulf %get3A_500, %get3A_181 : vector<16xf32>
            %add3A_517 = arith.addf %add3A_515, %mul3A_516 : vector<16xf32>
            %mul3A_518 = arith.mulf %get3A_503, %get3A_183 : vector<16xf32>
            %add3A_519 = arith.addf %add3A_517, %mul3A_518 : vector<16xf32>
            %mul3A_520 = arith.mulf %get3A_506, %get3A_185 : vector<16xf32>
            %add3A_521 = arith.addf %add3A_519, %mul3A_520 : vector<16xf32>
            %reduce_sum3A = arith.constant true
            %reduce_sum3A_522 = vector.broadcast %reduce_sum3A : i1 to vector<16xi1>
            %reduce_sum3A_523 = tpu.scan <sum>, %add3A_521 masked %reduce_sum3A_522 : vector<16xf32>, vector<16xi1> -> vector<16xf32>
            %reduce_sum3A_524 = vector.extract %reduce_sum3A_523[15] : f32 from vector<16xf32>
            %broadcast_in_dim3A_525 = vector.broadcast %reduce_sum3A_524 : f32 to vector<16xf32>
            %add3A_526 = arith.addf %broadcast_in_dim3A_525, %get3A_187 : vector<16xf32>
            %neg3A = arith.constant 0.000000e+00 : f32
            %neg3A_527 = vector.broadcast %neg3A : f32 to vector<16xf32>
            %neg3A_528 = arith.subf %neg3A_527, %add3A_526 : vector<16xf32>
            %exp3A = math.exp %neg3A_528 : vector<16xf32>
            %add3A_529 = arith.constant 1.000000e+00 : f32
            %add3A_530 = vector.broadcast %add3A_529 : f32 to vector<16xf32>
            %add3A_531 = arith.addf %add3A_530, %exp3A : vector<16xf32>
            %div3A_532 = arith.constant 1.000000e+00 : f32
            %div3A_533 = vector.broadcast %div3A_532 : f32 to vector<16xf32>
            %div3A_534 = arith.divf %div3A_533, %add3A_531 : vector<16xf32>
            %add3A_535 = arith.addf %while3A_458, %get3A_485 : vector<16xf32>
            %add3A_536 = arith.addf %while3A_459, %get3A_488 : vector<16xf32>
            %add3A_537 = arith.addf %while3A_460, %get3A_491 : vector<16xf32>
            %add3A_538 = arith.addf %while3A_461, %get3A_494 : vector<16xf32>
            %add3A_539 = arith.addf %while3A_462, %get3A_497 : vector<16xf32>
            %add3A_540 = arith.addf %while3A_463, %get3A_500 : vector<16xf32>
            %add3A_541 = arith.addf %while3A_464, %get3A_503 : vector<16xf32>
            %add3A_542 = arith.addf %while3A_465, %get3A_506 : vector<16xf32>
            %mul3A_543 = arith.mulf %get3A_485, %div3A_534 : vector<16xf32>
            %add3A_544 = arith.addf %while3A_466, %mul3A_543 : vector<16xf32>
            %mul3A_545 = arith.mulf %get3A_488, %div3A_534 : vector<16xf32>
            %add3A_546 = arith.addf %while3A_467, %mul3A_545 : vector<16xf32>
            %mul3A_547 = arith.mulf %get3A_491, %div3A_534 : vector<16xf32>
            %add3A_548 = arith.addf %while3A_468, %mul3A_547 : vector<16xf32>
            %mul3A_549 = arith.mulf %get3A_494, %div3A_534 : vector<16xf32>
            %add3A_550 = arith.addf %while3A_469, %mul3A_549 : vector<16xf32>
            %mul3A_551 = arith.mulf %get3A_497, %div3A_534 : vector<16xf32>
            %add3A_552 = arith.addf %while3A_470, %mul3A_551 : vector<16xf32>
            %mul3A_553 = arith.mulf %get3A_500, %div3A_534 : vector<16xf32>
            %add3A_554 = arith.addf %while3A_471, %mul3A_553 : vector<16xf32>
            %mul3A_555 = arith.mulf %get3A_503, %div3A_534 : vector<16xf32>
            %add3A_556 = arith.addf %while3A_472, %mul3A_555 : vector<16xf32>
            %mul3A_557 = arith.mulf %get3A_506, %div3A_534 : vector<16xf32>
            %add3A_558 = arith.addf %while3A_473, %mul3A_557 : vector<16xf32>
            %max3A_559 = arith.maximumf %while3A_474, %get3A_485 : vector<16xf32>
            %max3A_560 = arith.maximumf %while3A_475, %get3A_488 : vector<16xf32>
            %max3A_561 = arith.maximumf %while3A_476, %get3A_491 : vector<16xf32>
            %max3A_562 = arith.maximumf %while3A_477, %get3A_494 : vector<16xf32>
            %max3A_563 = arith.maximumf %while3A_478, %get3A_497 : vector<16xf32>
            %max3A_564 = arith.maximumf %while3A_479, %get3A_500 : vector<16xf32>
            %max3A_565 = arith.maximumf %while3A_480, %get3A_503 : vector<16xf32>
            %max3A_566 = arith.maximumf %while3A_481, %get3A_506 : vector<16xf32>
            scf.yield %add3A_535, %add3A_536, %add3A_537, %add3A_538, %add3A_539, %add3A_540, %add3A_541, %add3A_542, %add3A_544, %add3A_546, %add3A_548, %add3A_550, %add3A_552, %add3A_554, %add3A_556, %add3A_558, %max3A_559, %max3A_560, %max3A_561, %max3A_562, %max3A_563, %max3A_564, %max3A_565, %max3A_566 : vector<16xf32>, vector<16xf32>, vector<16xf32>, vector<16xf32>, vector<16xf32>, vector<16xf32>, vector<16xf32>, vector<16xf32>, vector<16xf32>, vector<16xf32>, vector<16xf32>, vector<16xf32>, vector<16xf32>, vector<16xf32>, vector<16xf32>, vector<16xf32>, vector<16xf32>, vector<16xf32>, vector<16xf32>, vector<16xf32>, vector<16xf32>, vector<16xf32>, vector<16xf32>, vector<16xf32>
          }
          %while3A_303 = arith.constant 1 : i32
          %while3A_304:24 = scf.for %while3A_457 = %while3A_300 to %while3A_296 step %while3A_303 iter_args(%while3A_458 = %while3A_302#0, %while3A_459 = %while3A_302#1, %while3A_460 = %while3A_302#2, %while3A_461 = %while3A_302#3, %while3A_462 = %while3A_302#4, %while3A_463 = %while3A_302#5, %while3A_464 = %while3A_302#6, %while3A_465 = %while3A_302#7, %while3A_466 = %while3A_302#8, %while3A_467 = %while3A_302#9, %while3A_468 = %while3A_302#10, %while3A_469 = %while3A_302#11, %while3A_470 = %while3A_302#12, %while3A_471 = %while3A_302#13, %while3A_472 = %while3A_302#14, %while3A_473 = %while3A_302#15, %while3A_474 = %while3A_302#16, %while3A_475 = %while3A_302#17, %while3A_476 = %while3A_302#18, %while3A_477 = %while3A_302#19, %while3A_478 = %while3A_302#20, %while3A_479 = %while3A_302#21, %while3A_480 = %while3A_302#22, %while3A_481 = %while3A_302#23) -> (vector<16xf32>, vector<16xf32>, vector<16xf32>, vector<16xf32>, vector<16xf32>, vector<16xf32>, vector<16xf32>, vector<16xf32>, vector<16xf32>, vector<16xf32>, vector<16xf32>, vector<16xf32>, vector<16xf32>, vector<16xf32>, vector<16xf32>, vector<16xf32>, vector<16xf32>, vector<16xf32>, vector<16xf32>, vector<16xf32>, vector<16xf32>, vector<16xf32>, vector<16xf32>, vector<16xf32>)  : i32 {
            %sub3A_482 = arith.subi %while3A_457, %min3A_273 : i32
            %get3A_483 = arith.index_cast %sub3A_482 : i32 to index
            %get3A_484 = arith.constant 0 : index
            %get3A_485 = tpu.vector_load %arg6[%get3A_483, %get3A_484] {strides = array<i32>} : memref<256x128xf32, #tpu.memory_space<vmem>>, vector<16xf32>,
            %get3A_486 = arith.index_cast %sub3A_482 : i32 to index
            %get3A_487 = arith.constant 16 : index
            %get3A_488 = tpu.vector_load %arg6[%get3A_486, %get3A_487] {strides = array<i32>} : memref<256x128xf32, #tpu.memory_space<vmem>>, vector<16xf32>,
            %get3A_489 = arith.index_cast %sub3A_482 : i32 to index
            %get3A_490 = arith.constant 32 : index
            %get3A_491 = tpu.vector_load %arg6[%get3A_489, %get3A_490] {strides = array<i32>} : memref<256x128xf32, #tpu.memory_space<vmem>>, vector<16xf32>,
            %get3A_492 = arith.index_cast %sub3A_482 : i32 to index
            %get3A_493 = arith.constant 48 : index
            %get3A_494 = tpu.vector_load %arg6[%get3A_492, %get3A_493] {strides = array<i32>} : memref<256x128xf32, #tpu.memory_space<vmem>>, vector<16xf32>,
            %get3A_495 = arith.index_cast %sub3A_482 : i32 to index
            %get3A_496 = arith.constant 64 : index
            %get3A_497 = tpu.vector_load %arg6[%get3A_495, %get3A_496] {strides = array<i32>} : memref<256x128xf32, #tpu.memory_space<vmem>>, vector<16xf32>,
            %get3A_498 = arith.index_cast %sub3A_482 : i32 to index
            %get3A_499 = arith.constant 80 : index
            %get3A_500 = tpu.vector_load %arg6[%get3A_498, %get3A_499] {strides = array<i32>} : memref<256x128xf32, #tpu.memory_space<vmem>>, vector<16xf32>,
            %get3A_501 = arith.index_cast %sub3A_482 : i32 to index
            %get3A_502 = arith.constant 96 : index
            %get3A_503 = tpu.vector_load %arg6[%get3A_501, %get3A_502] {strides = array<i32>} : memref<256x128xf32, #tpu.memory_space<vmem>>, vector<16xf32>,
            %get3A_504 = arith.index_cast %sub3A_482 : i32 to index
            %get3A_505 = arith.constant 112 : index
            %get3A_506 = tpu.vector_load %arg6[%get3A_504, %get3A_505] {strides = array<i32>} : memref<256x128xf32, #tpu.memory_space<vmem>>, vector<16xf32>,
            %mul3A_507 = arith.mulf %get3A_485, %get3A_171 : vector<16xf32>
            %mul3A_508 = arith.mulf %get3A_488, %get3A_173 : vector<16xf32>
            %add3A_509 = arith.addf %mul3A_507, %mul3A_508 : vector<16xf32>
            %mul3A_510 = arith.mulf %get3A_491, %get3A_175 : vector<16xf32>
            %add3A_511 = arith.addf %add3A_509, %mul3A_510 : vector<16xf32>
            %mul3A_512 = arith.mulf %get3A_494, %get3A_177 : vector<16xf32>
            %add3A_513 = arith.addf %add3A_511, %mul3A_512 : vector<16xf32>
            %mul3A_514 = arith.mulf %get3A_497, %get3A_179 : vector<16xf32>
            %add3A_515 = arith.addf %add3A_513, %mul3A_514 : vector<16xf32>
            %mul3A_516 = arith.mulf %get3A_500, %get3A_181 : vector<16xf32>
            %add3A_517 = arith.addf %add3A_515, %mul3A_516 : vector<16xf32>
            %mul3A_518 = arith.mulf %get3A_503, %get3A_183 : vector<16xf32>
            %add3A_519 = arith.addf %add3A_517, %mul3A_518 : vector<16xf32>
            %mul3A_520 = arith.mulf %get3A_506, %get3A_185 : vector<16xf32>
            %add3A_521 = arith.addf %add3A_519, %mul3A_520 : vector<16xf32>
            %reduce_sum3A = arith.constant true
            %reduce_sum3A_522 = vector.broadcast %reduce_sum3A : i1 to vector<16xi1>
            %reduce_sum3A_523 = tpu.scan <sum>, %add3A_521 masked %reduce_sum3A_522 : vector<16xf32>, vector<16xi1> -> vector<16xf32>
            %reduce_sum3A_524 = vector.extract %reduce_sum3A_523[15] : f32 from vector<16xf32>
            %broadcast_in_dim3A_525 = vector.broadcast %reduce_sum3A_524 : f32 to vector<16xf32>
            %add3A_526 = arith.addf %broadcast_in_dim3A_525, %get3A_187 : vector<16xf32>
            %neg3A = arith.constant 0.000000e+00 : f32
            %neg3A_527 = vector.broadcast %neg3A : f32 to vector<16xf32>
            %neg3A_528 = arith.subf %neg3A_527, %add3A_526 : vector<16xf32>
            %exp3A = math.exp %neg3A_528 : vector<16xf32>
            %add3A_529 = arith.constant 1.000000e+00 : f32
            %add3A_530 = vector.broadcast %add3A_529 : f32 to vector<16xf32>
            %add3A_531 = arith.addf %add3A_530, %exp3A : vector<16xf32>
            %div3A_532 = arith.constant 1.000000e+00 : f32
            %div3A_533 = vector.broadcast %div3A_532 : f32 to vector<16xf32>
            %div3A_534 = arith.divf %div3A_533, %add3A_531 : vector<16xf32>
            %add3A_535 = arith.addf %while3A_458, %get3A_485 : vector<16xf32>
            %add3A_536 = arith.addf %while3A_459, %get3A_488 : vector<16xf32>
            %add3A_537 = arith.addf %while3A_460, %get3A_491 : vector<16xf32>
            %add3A_538 = arith.addf %while3A_461, %get3A_494 : vector<16xf32>
            %add3A_539 = arith.addf %while3A_462, %get3A_497 : vector<16xf32>
            %add3A_540 = arith.addf %while3A_463, %get3A_500 : vector<16xf32>
            %add3A_541 = arith.addf %while3A_464, %get3A_503 : vector<16xf32>
            %add3A_542 = arith.addf %while3A_465, %get3A_506 : vector<16xf32>
            %mul3A_543 = arith.mulf %get3A_485, %div3A_534 : vector<16xf32>
            %add3A_544 = arith.addf %while3A_466, %mul3A_543 : vector<16xf32>
            %mul3A_545 = arith.mulf %get3A_488, %div3A_534 : vector<16xf32>
            %add3A_546 = arith.addf %while3A_467, %mul3A_545 : vector<16xf32>
            %mul3A_547 = arith.mulf %get3A_491, %div3A_534 : vector<16xf32>
            %add3A_548 = arith.addf %while3A_468, %mul3A_547 : vector<16xf32>
            %mul3A_549 = arith.mulf %get3A_494, %div3A_534 : vector<16xf32>
            %add3A_550 = arith.addf %while3A_469, %mul3A_549 : vector<16xf32>
            %mul3A_551 = arith.mulf %get3A_497, %div3A_534 : vector<16xf32>
            %add3A_552 = arith.addf %while3A_470, %mul3A_551 : vector<16xf32>
            %mul3A_553 = arith.mulf %get3A_500, %div3A_534 : vector<16xf32>
            %add3A_554 = arith.addf %while3A_471, %mul3A_553 : vector<16xf32>
            %mul3A_555 = arith.mulf %get3A_503, %div3A_534 : vector<16xf32>
            %add3A_556 = arith.addf %while3A_472, %mul3A_555 : vector<16xf32>
            %mul3A_557 = arith.mulf %get3A_506, %div3A_534 : vector<16xf32>
            %add3A_558 = arith.addf %while3A_473, %mul3A_557 : vector<16xf32>
            %max3A_559 = arith.maximumf %while3A_474, %get3A_485 : vector<16xf32>
            %max3A_560 = arith.maximumf %while3A_475, %get3A_488 : vector<16xf32>
            %max3A_561 = arith.maximumf %while3A_476, %get3A_491 : vector<16xf32>
            %max3A_562 = arith.maximumf %while3A_477, %get3A_494 : vector<16xf32>
            %max3A_563 = arith.maximumf %while3A_478, %get3A_497 : vector<16xf32>
            %max3A_564 = arith.maximumf %while3A_479, %get3A_500 : vector<16xf32>
            %max3A_565 = arith.maximumf %while3A_480, %get3A_503 : vector<16xf32>
            %max3A_566 = arith.maximumf %while3A_481, %get3A_506 : vector<16xf32>
            scf.yield %add3A_535, %add3A_536, %add3A_537, %add3A_538, %add3A_539, %add3A_540, %add3A_541, %add3A_542, %add3A_544, %add3A_546, %add3A_548, %add3A_550, %add3A_552, %add3A_554, %add3A_556, %add3A_558, %max3A_559, %max3A_560, %max3A_561, %max3A_562, %max3A_563, %max3A_564, %max3A_565, %max3A_566 : vector<16xf32>, vector<16xf32>, vector<16xf32>, vector<16xf32>, vector<16xf32>, vector<16xf32>, vector<16xf32>, vector<16xf32>, vector<16xf32>, vector<16xf32>, vector<16xf32>, vector<16xf32>, vector<16xf32>, vector<16xf32>, vector<16xf32>, vector<16xf32>, vector<16xf32>, vector<16xf32>, vector<16xf32>, vector<16xf32>, vector<16xf32>, vector<16xf32>, vector<16xf32>, vector<16xf32>
          }
          %mul3A_305 = arith.constant 128 : i32
          %mul3A_306 = arith.muli %scan3A_284, %mul3A_305 : i32
          %add3A_307 = arith.constant 0 : i32
          %add3A_308 = arith.addi %mul3A_306, %add3A_307 : i32
          %get3A_309 = arith.index_cast %add3A_308 : i32 to index
          %get3A_310 = tpu.vector_load %arg10[%get3A_309] {strides = array<i32>} : memref<4096xf32, #tpu.memory_space<vmem>>, vector<16xf32>,
          %add3A_311 = arith.addf %get3A_310, %while3A_304#0 : vector<16xf32>
          %swap3A_312 = arith.index_cast %add3A_308 : i32 to index
          %swap3A_313 = tpu.vector_load %arg10[%swap3A_312] {strides = array<i32>} : memref<4096xf32, #tpu.memory_space<vmem>>, vector<16xf32>,
          tpu.vector_store %arg10[%swap3A_312], %add3A_311 {strides = array<i32>} : memref<4096xf32, #tpu.memory_space<vmem>>, vector<16xf32>,
          %get3A_314 = arith.index_cast %add3A_308 : i32 to index
          %get3A_315 = tpu.vector_load %arg12[%get3A_314] {strides = array<i32>} : memref<4096xf32, #tpu.memory_space<vmem>>, vector<16xf32>,
          %add3A_316 = arith.addf %get3A_315, %while3A_304#8 : vector<16xf32>
          %swap3A_317 = arith.index_cast %add3A_308 : i32 to index
          %swap3A_318 = tpu.vector_load %arg12[%swap3A_317] {strides = array<i32>} : memref<4096xf32, #tpu.memory_space<vmem>>, vector<16xf32>,
          tpu.vector_store %arg12[%swap3A_317], %add3A_316 {strides = array<i32>} : memref<4096xf32, #tpu.memory_space<vmem>>, vector<16xf32>,
          %get3A_319 = arith.index_cast %add3A_308 : i32 to index
          %get3A_320 = tpu.vector_load %arg11[%get3A_319] {strides = array<i32>} : memref<4096xf32, #tpu.memory_space<vmem>>, vector<16xf32>,
          %max3A_321 = arith.maximumf %get3A_320, %while3A_304#16 : vector<16xf32>
          %swap3A_322 = arith.index_cast %add3A_308 : i32 to index
          %swap3A_323 = tpu.vector_load %arg11[%swap3A_322] {strides = array<i32>} : memref<4096xf32, #tpu.memory_space<vmem>>, vector<16xf32>,
          tpu.vector_store %arg11[%swap3A_322], %max3A_321 {strides = array<i32>} : memref<4096xf32, #tpu.memory_space<vmem>>, vector<16xf32>,
          %mul3A_324 = arith.constant 128 : i32
          %mul3A_325 = arith.muli %scan3A_284, %mul3A_324 : i32
          %add3A_326 = arith.constant 16 : i32
          %add3A_327 = arith.addi %mul3A_325, %add3A_326 : i32
          %get3A_328 = arith.index_cast %add3A_327 : i32 to index
          %get3A_329 = tpu.vector_load %arg10[%get3A_328] {strides = array<i32>} : memref<4096xf32, #tpu.memory_space<vmem>>, vector<16xf32>,
          %add3A_330 = arith.addf %get3A_329, %while3A_304#1 : vector<16xf32>
          %swap3A_331 = arith.index_cast %add3A_327 : i32 to index
          %swap3A_332 = tpu.vector_load %arg10[%swap3A_331] {strides = array<i32>} : memref<4096xf32, #tpu.memory_space<vmem>>, vector<16xf32>,
          tpu.vector_store %arg10[%swap3A_331], %add3A_330 {strides = array<i32>} : memref<4096xf32, #tpu.memory_space<vmem>>, vector<16xf32>,
          %get3A_333 = arith.index_cast %add3A_327 : i32 to index
          %get3A_334 = tpu.vector_load %arg12[%get3A_333] {strides = array<i32>} : memref<4096xf32, #tpu.memory_space<vmem>>, vector<16xf32>,
          %add3A_335 = arith.addf %get3A_334, %while3A_304#9 : vector<16xf32>
          %swap3A_336 = arith.index_cast %add3A_327 : i32 to index
          %swap3A_337 = tpu.vector_load %arg12[%swap3A_336] {strides = array<i32>} : memref<4096xf32, #tpu.memory_space<vmem>>, vector<16xf32>,
          tpu.vector_store %arg12[%swap3A_336], %add3A_335 {strides = array<i32>} : memref<4096xf32, #tpu.memory_space<vmem>>, vector<16xf32>,
          %get3A_338 = arith.index_cast %add3A_327 : i32 to index
          %get3A_339 = tpu.vector_load %arg11[%get3A_338] {strides = array<i32>} : memref<4096xf32, #tpu.memory_space<vmem>>, vector<16xf32>,
          %max3A_340 = arith.maximumf %get3A_339, %while3A_304#17 : vector<16xf32>
          %swap3A_341 = arith.index_cast %add3A_327 : i32 to index
          %swap3A_342 = tpu.vector_load %arg11[%swap3A_341] {strides = array<i32>} : memref<4096xf32, #tpu.memory_space<vmem>>, vector<16xf32>,
          tpu.vector_store %arg11[%swap3A_341], %max3A_340 {strides = array<i32>} : memref<4096xf32, #tpu.memory_space<vmem>>, vector<16xf32>,
          %mul3A_343 = arith.constant 128 : i32
          %mul3A_344 = arith.muli %scan3A_284, %mul3A_343 : i32
          %add3A_345 = arith.constant 32 : i32
          %add3A_346 = arith.addi %mul3A_344, %add3A_345 : i32
          %get3A_347 = arith.index_cast %add3A_346 : i32 to index
          %get3A_348 = tpu.vector_load %arg10[%get3A_347] {strides = array<i32>} : memref<4096xf32, #tpu.memory_space<vmem>>, vector<16xf32>,
          %add3A_349 = arith.addf %get3A_348, %while3A_304#2 : vector<16xf32>
          %swap3A_350 = arith.index_cast %add3A_346 : i32 to index
          %swap3A_351 = tpu.vector_load %arg10[%swap3A_350] {strides = array<i32>} : memref<4096xf32, #tpu.memory_space<vmem>>, vector<16xf32>,
          tpu.vector_store %arg10[%swap3A_350], %add3A_349 {strides = array<i32>} : memref<4096xf32, #tpu.memory_space<vmem>>, vector<16xf32>,
          %get3A_352 = arith.index_cast %add3A_346 : i32 to index
          %get3A_353 = tpu.vector_load %arg12[%get3A_352] {strides = array<i32>} : memref<4096xf32, #tpu.memory_space<vmem>>, vector<16xf32>,
          %add3A_354 = arith.addf %get3A_353, %while3A_304#10 : vector<16xf32>
          %swap3A_355 = arith.index_cast %add3A_346 : i32 to index
          %swap3A_356 = tpu.vector_load %arg12[%swap3A_355] {strides = array<i32>} : memref<4096xf32, #tpu.memory_space<vmem>>, vector<16xf32>,
          tpu.vector_store %arg12[%swap3A_355], %add3A_354 {strides = array<i32>} : memref<4096xf32, #tpu.memory_space<vmem>>, vector<16xf32>,
          %get3A_357 = arith.index_cast %add3A_346 : i32 to index
          %get3A_358 = tpu.vector_load %arg11[%get3A_357] {strides = array<i32>} : memref<4096xf32, #tpu.memory_space<vmem>>, vector<16xf32>,
          %max3A_359 = arith.maximumf %get3A_358, %while3A_304#18 : vector<16xf32>
          %swap3A_360 = arith.index_cast %add3A_346 : i32 to index
          %swap3A_361 = tpu.vector_load %arg11[%swap3A_360] {strides = array<i32>} : memref<4096xf32, #tpu.memory_space<vmem>>, vector<16xf32>,
          tpu.vector_store %arg11[%swap3A_360], %max3A_359 {strides = array<i32>} : memref<4096xf32, #tpu.memory_space<vmem>>, vector<16xf32>,
          %mul3A_362 = arith.constant 128 : i32
          %mul3A_363 = arith.muli %scan3A_284, %mul3A_362 : i32
          %add3A_364 = arith.constant 48 : i32
          %add3A_365 = arith.addi %mul3A_363, %add3A_364 : i32
          %get3A_366 = arith.index_cast %add3A_365 : i32 to index
          %get3A_367 = tpu.vector_load %arg10[%get3A_366] {strides = array<i32>} : memref<4096xf32, #tpu.memory_space<vmem>>, vector<16xf32>,
          %add3A_368 = arith.addf %get3A_367, %while3A_304#3 : vector<16xf32>
          %swap3A_369 = arith.index_cast %add3A_365 : i32 to index
          %swap3A_370 = tpu.vector_load %arg10[%swap3A_369] {strides = array<i32>} : memref<4096xf32, #tpu.memory_space<vmem>>, vector<16xf32>,
          tpu.vector_store %arg10[%swap3A_369], %add3A_368 {strides = array<i32>} : memref<4096xf32, #tpu.memory_space<vmem>>, vector<16xf32>,
          %get3A_371 = arith.index_cast %add3A_365 : i32 to index
          %get3A_372 = tpu.vector_load %arg12[%get3A_371] {strides = array<i32>} : memref<4096xf32, #tpu.memory_space<vmem>>, vector<16xf32>,
          %add3A_373 = arith.addf %get3A_372, %while3A_304#11 : vector<16xf32>
          %swap3A_374 = arith.index_cast %add3A_365 : i32 to index
          %swap3A_375 = tpu.vector_load %arg12[%swap3A_374] {strides = array<i32>} : memref<4096xf32, #tpu.memory_space<vmem>>, vector<16xf32>,
          tpu.vector_store %arg12[%swap3A_374], %add3A_373 {strides = array<i32>} : memref<4096xf32, #tpu.memory_space<vmem>>, vector<16xf32>,
          %get3A_376 = arith.index_cast %add3A_365 : i32 to index
          %get3A_377 = tpu.vector_load %arg11[%get3A_376] {strides = array<i32>} : memref<4096xf32, #tpu.memory_space<vmem>>, vector<16xf32>,
          %max3A_378 = arith.maximumf %get3A_377, %while3A_304#19 : vector<16xf32>
          %swap3A_379 = arith.index_cast %add3A_365 : i32 to index
          %swap3A_380 = tpu.vector_load %arg11[%swap3A_379] {strides = array<i32>} : memref<4096xf32, #tpu.memory_space<vmem>>, vector<16xf32>,
          tpu.vector_store %arg11[%swap3A_379], %max3A_378 {strides = array<i32>} : memref<4096xf32, #tpu.memory_space<vmem>>, vector<16xf32>,
          %mul3A_381 = arith.constant 128 : i32
          %mul3A_382 = arith.muli %scan3A_284, %mul3A_381 : i32
          %add3A_383 = arith.constant 64 : i32
          %add3A_384 = arith.addi %mul3A_382, %add3A_383 : i32
          %get3A_385 = arith.index_cast %add3A_384 : i32 to index
          %get3A_386 = tpu.vector_load %arg10[%get3A_385] {strides = array<i32>} : memref<4096xf32, #tpu.memory_space<vmem>>, vector<16xf32>,
          %add3A_387 = arith.addf %get3A_386, %while3A_304#4 : vector<16xf32>
          %swap3A_388 = arith.index_cast %add3A_384 : i32 to index
          %swap3A_389 = tpu.vector_load %arg10[%swap3A_388] {strides = array<i32>} : memref<4096xf32, #tpu.memory_space<vmem>>, vector<16xf32>,
          tpu.vector_store %arg10[%swap3A_388], %add3A_387 {strides = array<i32>} : memref<4096xf32, #tpu.memory_space<vmem>>, vector<16xf32>,
          %get3A_390 = arith.index_cast %add3A_384 : i32 to index
          %get3A_391 = tpu.vector_load %arg12[%get3A_390] {strides = array<i32>} : memref<4096xf32, #tpu.memory_space<vmem>>, vector<16xf32>,
          %add3A_392 = arith.addf %get3A_391, %while3A_304#12 : vector<16xf32>
          %swap3A_393 = arith.index_cast %add3A_384 : i32 to index
          %swap3A_394 = tpu.vector_load %arg12[%swap3A_393] {strides = array<i32>} : memref<4096xf32, #tpu.memory_space<vmem>>, vector<16xf32>,
          tpu.vector_store %arg12[%swap3A_393], %add3A_392 {strides = array<i32>} : memref<4096xf32, #tpu.memory_space<vmem>>, vector<16xf32>,
          %get3A_395 = arith.index_cast %add3A_384 : i32 to index
          %get3A_396 = tpu.vector_load %arg11[%get3A_395] {strides = array<i32>} : memref<4096xf32, #tpu.memory_space<vmem>>, vector<16xf32>,
          %max3A_397 = arith.maximumf %get3A_396, %while3A_304#20 : vector<16xf32>
          %swap3A_398 = arith.index_cast %add3A_384 : i32 to index
          %swap3A_399 = tpu.vector_load %arg11[%swap3A_398] {strides = array<i32>} : memref<4096xf32, #tpu.memory_space<vmem>>, vector<16xf32>,
          tpu.vector_store %arg11[%swap3A_398], %max3A_397 {strides = array<i32>} : memref<4096xf32, #tpu.memory_space<vmem>>, vector<16xf32>,
          %mul3A_400 = arith.constant 128 : i32
          %mul3A_401 = arith.muli %scan3A_284, %mul3A_400 : i32
          %add3A_402 = arith.constant 80 : i32
          %add3A_403 = arith.addi %mul3A_401, %add3A_402 : i32
          %get3A_404 = arith.index_cast %add3A_403 : i32 to index
          %get3A_405 = tpu.vector_load %arg10[%get3A_404] {strides = array<i32>} : memref<4096xf32, #tpu.memory_space<vmem>>, vector<16xf32>,
          %add3A_406 = arith.addf %get3A_405, %while3A_304#5 : vector<16xf32>
          %swap3A_407 = arith.index_cast %add3A_403 : i32 to index
          %swap3A_408 = tpu.vector_load %arg10[%swap3A_407] {strides = array<i32>} : memref<4096xf32, #tpu.memory_space<vmem>>, vector<16xf32>,
          tpu.vector_store %arg10[%swap3A_407], %add3A_406 {strides = array<i32>} : memref<4096xf32, #tpu.memory_space<vmem>>, vector<16xf32>,
          %get3A_409 = arith.index_cast %add3A_403 : i32 to index
          %get3A_410 = tpu.vector_load %arg12[%get3A_409] {strides = array<i32>} : memref<4096xf32, #tpu.memory_space<vmem>>, vector<16xf32>,
          %add3A_411 = arith.addf %get3A_410, %while3A_304#13 : vector<16xf32>
          %swap3A_412 = arith.index_cast %add3A_403 : i32 to index
          %swap3A_413 = tpu.vector_load %arg12[%swap3A_412] {strides = array<i32>} : memref<4096xf32, #tpu.memory_space<vmem>>, vector<16xf32>,
          tpu.vector_store %arg12[%swap3A_412], %add3A_411 {strides = array<i32>} : memref<4096xf32, #tpu.memory_space<vmem>>, vector<16xf32>,
          %get3A_414 = arith.index_cast %add3A_403 : i32 to index
          %get3A_415 = tpu.vector_load %arg11[%get3A_414] {strides = array<i32>} : memref<4096xf32, #tpu.memory_space<vmem>>, vector<16xf32>,
          %max3A_416 = arith.maximumf %get3A_415, %while3A_304#21 : vector<16xf32>
          %swap3A_417 = arith.index_cast %add3A_403 : i32 to index
          %swap3A_418 = tpu.vector_load %arg11[%swap3A_417] {strides = array<i32>} : memref<4096xf32, #tpu.memory_space<vmem>>, vector<16xf32>,
          tpu.vector_store %arg11[%swap3A_417], %max3A_416 {strides = array<i32>} : memref<4096xf32, #tpu.memory_space<vmem>>, vector<16xf32>,
          %mul3A_419 = arith.constant 128 : i32
          %mul3A_420 = arith.muli %scan3A_284, %mul3A_419 : i32
          %add3A_421 = arith.constant 96 : i32
          %add3A_422 = arith.addi %mul3A_420, %add3A_421 : i32
          %get3A_423 = arith.index_cast %add3A_422 : i32 to index
          %get3A_424 = tpu.vector_load %arg10[%get3A_423] {strides = array<i32>} : memref<4096xf32, #tpu.memory_space<vmem>>, vector<16xf32>,
          %add3A_425 = arith.addf %get3A_424, %while3A_304#6 : vector<16xf32>
          %swap3A_426 = arith.index_cast %add3A_422 : i32 to index
          %swap3A_427 = tpu.vector_load %arg10[%swap3A_426] {strides = array<i32>} : memref<4096xf32, #tpu.memory_space<vmem>>, vector<16xf32>,
          tpu.vector_store %arg10[%swap3A_426], %add3A_425 {strides = array<i32>} : memref<4096xf32, #tpu.memory_space<vmem>>, vector<16xf32>,
          %get3A_428 = arith.index_cast %add3A_422 : i32 to index
          %get3A_429 = tpu.vector_load %arg12[%get3A_428] {strides = array<i32>} : memref<4096xf32, #tpu.memory_space<vmem>>, vector<16xf32>,
          %add3A_430 = arith.addf %get3A_429, %while3A_304#14 : vector<16xf32>
          %swap3A_431 = arith.index_cast %add3A_422 : i32 to index
          %swap3A_432 = tpu.vector_load %arg12[%swap3A_431] {strides = array<i32>} : memref<4096xf32, #tpu.memory_space<vmem>>, vector<16xf32>,
          tpu.vector_store %arg12[%swap3A_431], %add3A_430 {strides = array<i32>} : memref<4096xf32, #tpu.memory_space<vmem>>, vector<16xf32>,
          %get3A_433 = arith.index_cast %add3A_422 : i32 to index
          %get3A_434 = tpu.vector_load %arg11[%get3A_433] {strides = array<i32>} : memref<4096xf32, #tpu.memory_space<vmem>>, vector<16xf32>,
          %max3A_435 = arith.maximumf %get3A_434, %while3A_304#22 : vector<16xf32>
          %swap3A_436 = arith.index_cast %add3A_422 : i32 to index
          %swap3A_437 = tpu.vector_load %arg11[%swap3A_436] {strides = array<i32>} : memref<4096xf32, #tpu.memory_space<vmem>>, vector<16xf32>,
          tpu.vector_store %arg11[%swap3A_436], %max3A_435 {strides = array<i32>} : memref<4096xf32, #tpu.memory_space<vmem>>, vector<16xf32>,
          %mul3A_438 = arith.constant 128 : i32
          %mul3A_439 = arith.muli %scan3A_284, %mul3A_438 : i32
          %add3A_440 = arith.constant 112 : i32
          %add3A_441 = arith.addi %mul3A_439, %add3A_440 : i32
          %get3A_442 = arith.index_cast %add3A_441 : i32 to index
          %get3A_443 = tpu.vector_load %arg10[%get3A_442] {strides = array<i32>} : memref<4096xf32, #tpu.memory_space<vmem>>, vector<16xf32>,
          %add3A_444 = arith.addf %get3A_443, %while3A_304#7 : vector<16xf32>
          %swap3A_445 = arith.index_cast %add3A_441 : i32 to index
          %swap3A_446 = tpu.vector_load %arg10[%swap3A_445] {strides = array<i32>} : memref<4096xf32, #tpu.memory_space<vmem>>, vector<16xf32>,
          tpu.vector_store %arg10[%swap3A_445], %add3A_444 {strides = array<i32>} : memref<4096xf32, #tpu.memory_space<vmem>>, vector<16xf32>,
          %get3A_447 = arith.index_cast %add3A_441 : i32 to index
          %get3A_448 = tpu.vector_load %arg12[%get3A_447] {strides = array<i32>} : memref<4096xf32, #tpu.memory_space<vmem>>, vector<16xf32>,
          %add3A_449 = arith.addf %get3A_448, %while3A_304#15 : vector<16xf32>
          %swap3A_450 = arith.index_cast %add3A_441 : i32 to index
          %swap3A_451 = tpu.vector_load %arg12[%swap3A_450] {strides = array<i32>} : memref<4096xf32, #tpu.memory_space<vmem>>, vector<16xf32>,
          tpu.vector_store %arg12[%swap3A_450], %add3A_449 {strides = array<i32>} : memref<4096xf32, #tpu.memory_space<vmem>>, vector<16xf32>,
          %get3A_452 = arith.index_cast %add3A_441 : i32 to index
          %get3A_453 = tpu.vector_load %arg11[%get3A_452] {strides = array<i32>} : memref<4096xf32, #tpu.memory_space<vmem>>, vector<16xf32>,
          %max3A_454 = arith.maximumf %get3A_453, %while3A_304#23 : vector<16xf32>
          %swap3A_455 = arith.index_cast %add3A_441 : i32 to index
          %swap3A_456 = tpu.vector_load %arg11[%swap3A_455] {strides = array<i32>} : memref<4096xf32, #tpu.memory_space<vmem>>, vector<16xf32>,
          tpu.vector_store %arg11[%swap3A_455], %max3A_454 {strides = array<i32>} : memref<4096xf32, #tpu.memory_space<vmem>>, vector<16xf32>,
        } else {
        }
        %scan3A_294 = arith.constant 0 : i32
        scf.yield %scan3A_294 : i32
      }
      %scan3A_282 = arith.constant 32 : i32
      %while3A_283 = arith.constant 0 : i32
      scf.yield %while3A_283 : i32
    }
    %while3A_259 = arith.constant 1 : i32
    %while3A_260 = scf.for %while3A_268 = %while3A_256 to %while3A_252 step %while3A_259 iter_args(%while3A_269 = %while3A_258) -> (i32)  : i32 {
      %mul3A_270 = arith.constant 256 : i32
      %mul3A_271 = arith.muli %while3A_268, %mul3A_270 : i32
      %add3A_272 = arith.addi %mul3A_220, %mul3A_271 : i32
      %min3A = arith.constant 99744 : i32
      %min3A_273 = arith.minsi %add3A_272, %min3A : i32
      %add3A_274 = arith.constant 256 : i32
      %add3A_275 = arith.addi %min3A_273, %add3A_274 : i32
      "tpu.region"() ({
        %run_scoped3A = tpu.sem_alloc : memref<!tpu.dma_semaphore, #tpu.memory_space<semaphore_mem>>
        %dma_start3A = arith.constant 0 : i32
        %dma_start3A_284 = tpu.memref_slice %arg2[%min3A_273, %dma_start3A] : memref<100000x128xf32, #tpu.memory_space<hbm>> -> memref<256x128xf32, #tpu.memory_space<hbm>>
        %dma_start3A_285 = arith.constant 0 : i32
        %dma_start3A_286 = tpu.memref_slice %arg2[%min3A_273, %dma_start3A_285] : memref<100000x128xf32, #tpu.memory_space<hbm>> -> memref<256x128xf32, #tpu.memory_space<hbm>>
        tpu.enqueue_dma source(%dma_start3A_286 : memref<256x128xf32, #tpu.memory_space<hbm>>) target(%arg6 : memref<256x128xf32, #tpu.memory_space<vmem>>) target_semaphore(%run_scoped3A : memref<!tpu.dma_semaphore, #tpu.memory_space<semaphore_mem>>)
        %dma_wait3A = arith.constant 0 : i32
        %dma_wait3A_287 = tpu.memref_slice %arg2[%min3A_273, %dma_wait3A] : memref<100000x128xf32, #tpu.memory_space<hbm>> -> memref<256x128xf32, #tpu.memory_space<hbm>>
        %dma_wait3A_288 = arith.constant 0 : i32
        %dma_wait3A_289 = tpu.memref_slice %arg2[%min3A_273, %dma_wait3A_288] : memref<100000x128xf32, #tpu.memory_space<hbm>> -> memref<256x128xf32, #tpu.memory_space<hbm>>
        tpu.wait_dma2 semaphore(%run_scoped3A : memref<!tpu.dma_semaphore, #tpu.memory_space<semaphore_mem>>) src(%dma_wait3A_289 : memref<256x128xf32, #tpu.memory_space<hbm>>) dst(%arg6 : memref<256x128xf32, #tpu.memory_space<vmem>>)
        tpu.yield
      }) : () -> ()
      %scan3A_276 = arith.constant 0 : i32
      %scan3A_277 = arith.constant 0 : i32
      %scan3A_278 = arith.constant 32 : i32
      %scan3A_279 = arith.addi %scan3A_277, %scan3A_278 : i32
      %scan3A_280 = arith.constant 1 : i32
      %scan3A_281 = scf.for %scan3A_284 = %scan3A_277 to %scan3A_279 step %scan3A_280 iter_args(%scan3A_285 = %scan3A_276) -> (i32)  : i32 {
        %get3A_286 = arith.index_cast %scan3A_284 : i32 to index
        %get3A_287 = memref.load %arg9[%get3A_286] : memref<48xi32, #tpu.memory_space<smem>>
        %max3A = arith.maxsi %get3A_287, %add3A_272 : i32
        %add3A_288 = arith.constant 1 : i32
        %add3A_289 = arith.addi %scan3A_284, %add3A_288 : i32
        %get3A_290 = arith.index_cast %add3A_289 : i32 to index
        %get3A_291 = memref.load %arg9[%get3A_290] : memref<48xi32, #tpu.memory_space<smem>>
        %min3A_292 = arith.minsi %get3A_291, %add3A_275 : i32
        %lt3A = arith.cmpi slt, %max3A, %min3A_292 : i32
        %convert_element_type3A = arith.extui %lt3A : i1 to i32
        %cond3A = arith.constant 0 : i32
        %cond3A_293 = arith.cmpi ne, %convert_element_type3A, %cond3A : i32
        scf.if %cond3A_293 {
          %while3A_295 = arith.subi %min3A_292, %max3A : i32
          %while3A_296 = arith.addi %max3A, %while3A_295 : i32
          %while3A_297 = arith.constant 1 : i32
          %while3A_298 = arith.divsi %while3A_295, %while3A_297 : i32
          %while3A_299 = arith.muli %while3A_298, %while3A_297 : i32
          %while3A_300 = arith.addi %max3A, %while3A_299 : i32
          %while3A_301 = arith.constant 1 : i32
          %while3A_302:24 = scf.for %while3A_457 = %max3A to %while3A_300 step %while3A_301 iter_args(%while3A_458 = %broadcast_in_dim3A_188, %while3A_459 = %broadcast_in_dim3A_188, %while3A_460 = %broadcast_in_dim3A_188, %while3A_461 = %broadcast_in_dim3A_188, %while3A_462 = %broadcast_in_dim3A_188, %while3A_463 = %broadcast_in_dim3A_188, %while3A_464 = %broadcast_in_dim3A_188, %while3A_465 = %broadcast_in_dim3A_188, %while3A_466 = %broadcast_in_dim3A_188, %while3A_467 = %broadcast_in_dim3A_188, %while3A_468 = %broadcast_in_dim3A_188, %while3A_469 = %broadcast_in_dim3A_188, %while3A_470 = %broadcast_in_dim3A_188, %while3A_471 = %broadcast_in_dim3A_188, %while3A_472 = %broadcast_in_dim3A_188, %while3A_473 = %broadcast_in_dim3A_188, %while3A_474 = %broadcast_in_dim3A_190, %while3A_475 = %broadcast_in_dim3A_190, %while3A_476 = %broadcast_in_dim3A_190, %while3A_477 = %broadcast_in_dim3A_190, %while3A_478 = %broadcast_in_dim3A_190, %while3A_479 = %broadcast_in_dim3A_190, %while3A_480 = %broadcast_in_dim3A_190, %while3A_481 = %broadcast_in_dim3A_190) -> (vector<16xf32>, vector<16xf32>, vector<16xf32>, vector<16xf32>, vector<16xf32>, vector<16xf32>, vector<16xf32>, vector<16xf32>, vector<16xf32>, vector<16xf32>, vector<16xf32>, vector<16xf32>, vector<16xf32>, vector<16xf32>, vector<16xf32>, vector<16xf32>, vector<16xf32>, vector<16xf32>, vector<16xf32>, vector<16xf32>, vector<16xf32>, vector<16xf32>, vector<16xf32>, vector<16xf32>)  : i32 {
            %sub3A_482 = arith.subi %while3A_457, %min3A_273 : i32
            %get3A_483 = arith.index_cast %sub3A_482 : i32 to index
            %get3A_484 = arith.constant 0 : index
            %get3A_485 = tpu.vector_load %arg6[%get3A_483, %get3A_484] {strides = array<i32>} : memref<256x128xf32, #tpu.memory_space<vmem>>, vector<16xf32>,
            %get3A_486 = arith.index_cast %sub3A_482 : i32 to index
            %get3A_487 = arith.constant 16 : index
            %get3A_488 = tpu.vector_load %arg6[%get3A_486, %get3A_487] {strides = array<i32>} : memref<256x128xf32, #tpu.memory_space<vmem>>, vector<16xf32>,
            %get3A_489 = arith.index_cast %sub3A_482 : i32 to index
            %get3A_490 = arith.constant 32 : index
            %get3A_491 = tpu.vector_load %arg6[%get3A_489, %get3A_490] {strides = array<i32>} : memref<256x128xf32, #tpu.memory_space<vmem>>, vector<16xf32>,
            %get3A_492 = arith.index_cast %sub3A_482 : i32 to index
            %get3A_493 = arith.constant 48 : index
            %get3A_494 = tpu.vector_load %arg6[%get3A_492, %get3A_493] {strides = array<i32>} : memref<256x128xf32, #tpu.memory_space<vmem>>, vector<16xf32>,
            %get3A_495 = arith.index_cast %sub3A_482 : i32 to index
            %get3A_496 = arith.constant 64 : index
            %get3A_497 = tpu.vector_load %arg6[%get3A_495, %get3A_496] {strides = array<i32>} : memref<256x128xf32, #tpu.memory_space<vmem>>, vector<16xf32>,
            %get3A_498 = arith.index_cast %sub3A_482 : i32 to index
            %get3A_499 = arith.constant 80 : index
            %get3A_500 = tpu.vector_load %arg6[%get3A_498, %get3A_499] {strides = array<i32>} : memref<256x128xf32, #tpu.memory_space<vmem>>, vector<16xf32>,
            %get3A_501 = arith.index_cast %sub3A_482 : i32 to index
            %get3A_502 = arith.constant 96 : index
            %get3A_503 = tpu.vector_load %arg6[%get3A_501, %get3A_502] {strides = array<i32>} : memref<256x128xf32, #tpu.memory_space<vmem>>, vector<16xf32>,
            %get3A_504 = arith.index_cast %sub3A_482 : i32 to index
            %get3A_505 = arith.constant 112 : index
            %get3A_506 = tpu.vector_load %arg6[%get3A_504, %get3A_505] {strides = array<i32>} : memref<256x128xf32, #tpu.memory_space<vmem>>, vector<16xf32>,
            %mul3A_507 = arith.mulf %get3A_485, %get3A_171 : vector<16xf32>
            %mul3A_508 = arith.mulf %get3A_488, %get3A_173 : vector<16xf32>
            %add3A_509 = arith.addf %mul3A_507, %mul3A_508 : vector<16xf32>
            %mul3A_510 = arith.mulf %get3A_491, %get3A_175 : vector<16xf32>
            %add3A_511 = arith.addf %add3A_509, %mul3A_510 : vector<16xf32>
            %mul3A_512 = arith.mulf %get3A_494, %get3A_177 : vector<16xf32>
            %add3A_513 = arith.addf %add3A_511, %mul3A_512 : vector<16xf32>
            %mul3A_514 = arith.mulf %get3A_497, %get3A_179 : vector<16xf32>
            %add3A_515 = arith.addf %add3A_513, %mul3A_514 : vector<16xf32>
            %mul3A_516 = arith.mulf %get3A_500, %get3A_181 : vector<16xf32>
            %add3A_517 = arith.addf %add3A_515, %mul3A_516 : vector<16xf32>
            %mul3A_518 = arith.mulf %get3A_503, %get3A_183 : vector<16xf32>
            %add3A_519 = arith.addf %add3A_517, %mul3A_518 : vector<16xf32>
            %mul3A_520 = arith.mulf %get3A_506, %get3A_185 : vector<16xf32>
            %add3A_521 = arith.addf %add3A_519, %mul3A_520 : vector<16xf32>
            %reduce_sum3A = arith.constant true
            %reduce_sum3A_522 = vector.broadcast %reduce_sum3A : i1 to vector<16xi1>
            %reduce_sum3A_523 = tpu.scan <sum>, %add3A_521 masked %reduce_sum3A_522 : vector<16xf32>, vector<16xi1> -> vector<16xf32>
            %reduce_sum3A_524 = vector.extract %reduce_sum3A_523[15] : f32 from vector<16xf32>
            %broadcast_in_dim3A_525 = vector.broadcast %reduce_sum3A_524 : f32 to vector<16xf32>
            %add3A_526 = arith.addf %broadcast_in_dim3A_525, %get3A_187 : vector<16xf32>
            %neg3A = arith.constant 0.000000e+00 : f32
            %neg3A_527 = vector.broadcast %neg3A : f32 to vector<16xf32>
            %neg3A_528 = arith.subf %neg3A_527, %add3A_526 : vector<16xf32>
            %exp3A = math.exp %neg3A_528 : vector<16xf32>
            %add3A_529 = arith.constant 1.000000e+00 : f32
            %add3A_530 = vector.broadcast %add3A_529 : f32 to vector<16xf32>
            %add3A_531 = arith.addf %add3A_530, %exp3A : vector<16xf32>
            %div3A_532 = arith.constant 1.000000e+00 : f32
            %div3A_533 = vector.broadcast %div3A_532 : f32 to vector<16xf32>
            %div3A_534 = arith.divf %div3A_533, %add3A_531 : vector<16xf32>
            %add3A_535 = arith.addf %while3A_458, %get3A_485 : vector<16xf32>
            %add3A_536 = arith.addf %while3A_459, %get3A_488 : vector<16xf32>
            %add3A_537 = arith.addf %while3A_460, %get3A_491 : vector<16xf32>
            %add3A_538 = arith.addf %while3A_461, %get3A_494 : vector<16xf32>
            %add3A_539 = arith.addf %while3A_462, %get3A_497 : vector<16xf32>
            %add3A_540 = arith.addf %while3A_463, %get3A_500 : vector<16xf32>
            %add3A_541 = arith.addf %while3A_464, %get3A_503 : vector<16xf32>
            %add3A_542 = arith.addf %while3A_465, %get3A_506 : vector<16xf32>
            %mul3A_543 = arith.mulf %get3A_485, %div3A_534 : vector<16xf32>
            %add3A_544 = arith.addf %while3A_466, %mul3A_543 : vector<16xf32>
            %mul3A_545 = arith.mulf %get3A_488, %div3A_534 : vector<16xf32>
            %add3A_546 = arith.addf %while3A_467, %mul3A_545 : vector<16xf32>
            %mul3A_547 = arith.mulf %get3A_491, %div3A_534 : vector<16xf32>
            %add3A_548 = arith.addf %while3A_468, %mul3A_547 : vector<16xf32>
            %mul3A_549 = arith.mulf %get3A_494, %div3A_534 : vector<16xf32>
            %add3A_550 = arith.addf %while3A_469, %mul3A_549 : vector<16xf32>
            %mul3A_551 = arith.mulf %get3A_497, %div3A_534 : vector<16xf32>
            %add3A_552 = arith.addf %while3A_470, %mul3A_551 : vector<16xf32>
            %mul3A_553 = arith.mulf %get3A_500, %div3A_534 : vector<16xf32>
            %add3A_554 = arith.addf %while3A_471, %mul3A_553 : vector<16xf32>
            %mul3A_555 = arith.mulf %get3A_503, %div3A_534 : vector<16xf32>
            %add3A_556 = arith.addf %while3A_472, %mul3A_555 : vector<16xf32>
            %mul3A_557 = arith.mulf %get3A_506, %div3A_534 : vector<16xf32>
            %add3A_558 = arith.addf %while3A_473, %mul3A_557 : vector<16xf32>
            %max3A_559 = arith.maximumf %while3A_474, %get3A_485 : vector<16xf32>
            %max3A_560 = arith.maximumf %while3A_475, %get3A_488 : vector<16xf32>
            %max3A_561 = arith.maximumf %while3A_476, %get3A_491 : vector<16xf32>
            %max3A_562 = arith.maximumf %while3A_477, %get3A_494 : vector<16xf32>
            %max3A_563 = arith.maximumf %while3A_478, %get3A_497 : vector<16xf32>
            %max3A_564 = arith.maximumf %while3A_479, %get3A_500 : vector<16xf32>
            %max3A_565 = arith.maximumf %while3A_480, %get3A_503 : vector<16xf32>
            %max3A_566 = arith.maximumf %while3A_481, %get3A_506 : vector<16xf32>
            scf.yield %add3A_535, %add3A_536, %add3A_537, %add3A_538, %add3A_539, %add3A_540, %add3A_541, %add3A_542, %add3A_544, %add3A_546, %add3A_548, %add3A_550, %add3A_552, %add3A_554, %add3A_556, %add3A_558, %max3A_559, %max3A_560, %max3A_561, %max3A_562, %max3A_563, %max3A_564, %max3A_565, %max3A_566 : vector<16xf32>, vector<16xf32>, vector<16xf32>, vector<16xf32>, vector<16xf32>, vector<16xf32>, vector<16xf32>, vector<16xf32>, vector<16xf32>, vector<16xf32>, vector<16xf32>, vector<16xf32>, vector<16xf32>, vector<16xf32>, vector<16xf32>, vector<16xf32>, vector<16xf32>, vector<16xf32>, vector<16xf32>, vector<16xf32>, vector<16xf32>, vector<16xf32>, vector<16xf32>, vector<16xf32>
          }
          %while3A_303 = arith.constant 1 : i32
          %while3A_304:24 = scf.for %while3A_457 = %while3A_300 to %while3A_296 step %while3A_303 iter_args(%while3A_458 = %while3A_302#0, %while3A_459 = %while3A_302#1, %while3A_460 = %while3A_302#2, %while3A_461 = %while3A_302#3, %while3A_462 = %while3A_302#4, %while3A_463 = %while3A_302#5, %while3A_464 = %while3A_302#6, %while3A_465 = %while3A_302#7, %while3A_466 = %while3A_302#8, %while3A_467 = %while3A_302#9, %while3A_468 = %while3A_302#10, %while3A_469 = %while3A_302#11, %while3A_470 = %while3A_302#12, %while3A_471 = %while3A_302#13, %while3A_472 = %while3A_302#14, %while3A_473 = %while3A_302#15, %while3A_474 = %while3A_302#16, %while3A_475 = %while3A_302#17, %while3A_476 = %while3A_302#18, %while3A_477 = %while3A_302#19, %while3A_478 = %while3A_302#20, %while3A_479 = %while3A_302#21, %while3A_480 = %while3A_302#22, %while3A_481 = %while3A_302#23) -> (vector<16xf32>, vector<16xf32>, vector<16xf32>, vector<16xf32>, vector<16xf32>, vector<16xf32>, vector<16xf32>, vector<16xf32>, vector<16xf32>, vector<16xf32>, vector<16xf32>, vector<16xf32>, vector<16xf32>, vector<16xf32>, vector<16xf32>, vector<16xf32>, vector<16xf32>, vector<16xf32>, vector<16xf32>, vector<16xf32>, vector<16xf32>, vector<16xf32>, vector<16xf32>, vector<16xf32>)  : i32 {
            %sub3A_482 = arith.subi %while3A_457, %min3A_273 : i32
            %get3A_483 = arith.index_cast %sub3A_482 : i32 to index
            %get3A_484 = arith.constant 0 : index
            %get3A_485 = tpu.vector_load %arg6[%get3A_483, %get3A_484] {strides = array<i32>} : memref<256x128xf32, #tpu.memory_space<vmem>>, vector<16xf32>,
            %get3A_486 = arith.index_cast %sub3A_482 : i32 to index
            %get3A_487 = arith.constant 16 : index
            %get3A_488 = tpu.vector_load %arg6[%get3A_486, %get3A_487] {strides = array<i32>} : memref<256x128xf32, #tpu.memory_space<vmem>>, vector<16xf32>,
            %get3A_489 = arith.index_cast %sub3A_482 : i32 to index
            %get3A_490 = arith.constant 32 : index
            %get3A_491 = tpu.vector_load %arg6[%get3A_489, %get3A_490] {strides = array<i32>} : memref<256x128xf32, #tpu.memory_space<vmem>>, vector<16xf32>,
            %get3A_492 = arith.index_cast %sub3A_482 : i32 to index
            %get3A_493 = arith.constant 48 : index
            %get3A_494 = tpu.vector_load %arg6[%get3A_492, %get3A_493] {strides = array<i32>} : memref<256x128xf32, #tpu.memory_space<vmem>>, vector<16xf32>,
            %get3A_495 = arith.index_cast %sub3A_482 : i32 to index
            %get3A_496 = arith.constant 64 : index
            %get3A_497 = tpu.vector_load %arg6[%get3A_495, %get3A_496] {strides = array<i32>} : memref<256x128xf32, #tpu.memory_space<vmem>>, vector<16xf32>,
            %get3A_498 = arith.index_cast %sub3A_482 : i32 to index
            %get3A_499 = arith.constant 80 : index
            %get3A_500 = tpu.vector_load %arg6[%get3A_498, %get3A_499] {strides = array<i32>} : memref<256x128xf32, #tpu.memory_space<vmem>>, vector<16xf32>,
            %get3A_501 = arith.index_cast %sub3A_482 : i32 to index
            %get3A_502 = arith.constant 96 : index
            %get3A_503 = tpu.vector_load %arg6[%get3A_501, %get3A_502] {strides = array<i32>} : memref<256x128xf32, #tpu.memory_space<vmem>>, vector<16xf32>,
            %get3A_504 = arith.index_cast %sub3A_482 : i32 to index
            %get3A_505 = arith.constant 112 : index
            %get3A_506 = tpu.vector_load %arg6[%get3A_504, %get3A_505] {strides = array<i32>} : memref<256x128xf32, #tpu.memory_space<vmem>>, vector<16xf32>,
            %mul3A_507 = arith.mulf %get3A_485, %get3A_171 : vector<16xf32>
            %mul3A_508 = arith.mulf %get3A_488, %get3A_173 : vector<16xf32>
            %add3A_509 = arith.addf %mul3A_507, %mul3A_508 : vector<16xf32>
            %mul3A_510 = arith.mulf %get3A_491, %get3A_175 : vector<16xf32>
            %add3A_511 = arith.addf %add3A_509, %mul3A_510 : vector<16xf32>
            %mul3A_512 = arith.mulf %get3A_494, %get3A_177 : vector<16xf32>
            %add3A_513 = arith.addf %add3A_511, %mul3A_512 : vector<16xf32>
            %mul3A_514 = arith.mulf %get3A_497, %get3A_179 : vector<16xf32>
            %add3A_515 = arith.addf %add3A_513, %mul3A_514 : vector<16xf32>
            %mul3A_516 = arith.mulf %get3A_500, %get3A_181 : vector<16xf32>
            %add3A_517 = arith.addf %add3A_515, %mul3A_516 : vector<16xf32>
            %mul3A_518 = arith.mulf %get3A_503, %get3A_183 : vector<16xf32>
            %add3A_519 = arith.addf %add3A_517, %mul3A_518 : vector<16xf32>
            %mul3A_520 = arith.mulf %get3A_506, %get3A_185 : vector<16xf32>
            %add3A_521 = arith.addf %add3A_519, %mul3A_520 : vector<16xf32>
            %reduce_sum3A = arith.constant true
            %reduce_sum3A_522 = vector.broadcast %reduce_sum3A : i1 to vector<16xi1>
            %reduce_sum3A_523 = tpu.scan <sum>, %add3A_521 masked %reduce_sum3A_522 : vector<16xf32>, vector<16xi1> -> vector<16xf32>
            %reduce_sum3A_524 = vector.extract %reduce_sum3A_523[15] : f32 from vector<16xf32>
            %broadcast_in_dim3A_525 = vector.broadcast %reduce_sum3A_524 : f32 to vector<16xf32>
            %add3A_526 = arith.addf %broadcast_in_dim3A_525, %get3A_187 : vector<16xf32>
            %neg3A = arith.constant 0.000000e+00 : f32
            %neg3A_527 = vector.broadcast %neg3A : f32 to vector<16xf32>
            %neg3A_528 = arith.subf %neg3A_527, %add3A_526 : vector<16xf32>
            %exp3A = math.exp %neg3A_528 : vector<16xf32>
            %add3A_529 = arith.constant 1.000000e+00 : f32
            %add3A_530 = vector.broadcast %add3A_529 : f32 to vector<16xf32>
            %add3A_531 = arith.addf %add3A_530, %exp3A : vector<16xf32>
            %div3A_532 = arith.constant 1.000000e+00 : f32
            %div3A_533 = vector.broadcast %div3A_532 : f32 to vector<16xf32>
            %div3A_534 = arith.divf %div3A_533, %add3A_531 : vector<16xf32>
            %add3A_535 = arith.addf %while3A_458, %get3A_485 : vector<16xf32>
            %add3A_536 = arith.addf %while3A_459, %get3A_488 : vector<16xf32>
            %add3A_537 = arith.addf %while3A_460, %get3A_491 : vector<16xf32>
            %add3A_538 = arith.addf %while3A_461, %get3A_494 : vector<16xf32>
            %add3A_539 = arith.addf %while3A_462, %get3A_497 : vector<16xf32>
            %add3A_540 = arith.addf %while3A_463, %get3A_500 : vector<16xf32>
            %add3A_541 = arith.addf %while3A_464, %get3A_503 : vector<16xf32>
            %add3A_542 = arith.addf %while3A_465, %get3A_506 : vector<16xf32>
            %mul3A_543 = arith.mulf %get3A_485, %div3A_534 : vector<16xf32>
            %add3A_544 = arith.addf %while3A_466, %mul3A_543 : vector<16xf32>
            %mul3A_545 = arith.mulf %get3A_488, %div3A_534 : vector<16xf32>
            %add3A_546 = arith.addf %while3A_467, %mul3A_545 : vector<16xf32>
            %mul3A_547 = arith.mulf %get3A_491, %div3A_534 : vector<16xf32>
            %add3A_548 = arith.addf %while3A_468, %mul3A_547 : vector<16xf32>
            %mul3A_549 = arith.mulf %get3A_494, %div3A_534 : vector<16xf32>
            %add3A_550 = arith.addf %while3A_469, %mul3A_549 : vector<16xf32>
            %mul3A_551 = arith.mulf %get3A_497, %div3A_534 : vector<16xf32>
            %add3A_552 = arith.addf %while3A_470, %mul3A_551 : vector<16xf32>
            %mul3A_553 = arith.mulf %get3A_500, %div3A_534 : vector<16xf32>
            %add3A_554 = arith.addf %while3A_471, %mul3A_553 : vector<16xf32>
            %mul3A_555 = arith.mulf %get3A_503, %div3A_534 : vector<16xf32>
            %add3A_556 = arith.addf %while3A_472, %mul3A_555 : vector<16xf32>
            %mul3A_557 = arith.mulf %get3A_506, %div3A_534 : vector<16xf32>
            %add3A_558 = arith.addf %while3A_473, %mul3A_557 : vector<16xf32>
            %max3A_559 = arith.maximumf %while3A_474, %get3A_485 : vector<16xf32>
            %max3A_560 = arith.maximumf %while3A_475, %get3A_488 : vector<16xf32>
            %max3A_561 = arith.maximumf %while3A_476, %get3A_491 : vector<16xf32>
            %max3A_562 = arith.maximumf %while3A_477, %get3A_494 : vector<16xf32>
            %max3A_563 = arith.maximumf %while3A_478, %get3A_497 : vector<16xf32>
            %max3A_564 = arith.maximumf %while3A_479, %get3A_500 : vector<16xf32>
            %max3A_565 = arith.maximumf %while3A_480, %get3A_503 : vector<16xf32>
            %max3A_566 = arith.maximumf %while3A_481, %get3A_506 : vector<16xf32>
            scf.yield %add3A_535, %add3A_536, %add3A_537, %add3A_538, %add3A_539, %add3A_540, %add3A_541, %add3A_542, %add3A_544, %add3A_546, %add3A_548, %add3A_550, %add3A_552, %add3A_554, %add3A_556, %add3A_558, %max3A_559, %max3A_560, %max3A_561, %max3A_562, %max3A_563, %max3A_564, %max3A_565, %max3A_566 : vector<16xf32>, vector<16xf32>, vector<16xf32>, vector<16xf32>, vector<16xf32>, vector<16xf32>, vector<16xf32>, vector<16xf32>, vector<16xf32>, vector<16xf32>, vector<16xf32>, vector<16xf32>, vector<16xf32>, vector<16xf32>, vector<16xf32>, vector<16xf32>, vector<16xf32>, vector<16xf32>, vector<16xf32>, vector<16xf32>, vector<16xf32>, vector<16xf32>, vector<16xf32>, vector<16xf32>
          }
          %mul3A_305 = arith.constant 128 : i32
          %mul3A_306 = arith.muli %scan3A_284, %mul3A_305 : i32
          %add3A_307 = arith.constant 0 : i32
          %add3A_308 = arith.addi %mul3A_306, %add3A_307 : i32
          %get3A_309 = arith.index_cast %add3A_308 : i32 to index
          %get3A_310 = tpu.vector_load %arg10[%get3A_309] {strides = array<i32>} : memref<4096xf32, #tpu.memory_space<vmem>>, vector<16xf32>,
          %add3A_311 = arith.addf %get3A_310, %while3A_304#0 : vector<16xf32>
          %swap3A_312 = arith.index_cast %add3A_308 : i32 to index
          %swap3A_313 = tpu.vector_load %arg10[%swap3A_312] {strides = array<i32>} : memref<4096xf32, #tpu.memory_space<vmem>>, vector<16xf32>,
          tpu.vector_store %arg10[%swap3A_312], %add3A_311 {strides = array<i32>} : memref<4096xf32, #tpu.memory_space<vmem>>, vector<16xf32>,
          %get3A_314 = arith.index_cast %add3A_308 : i32 to index
          %get3A_315 = tpu.vector_load %arg12[%get3A_314] {strides = array<i32>} : memref<4096xf32, #tpu.memory_space<vmem>>, vector<16xf32>,
          %add3A_316 = arith.addf %get3A_315, %while3A_304#8 : vector<16xf32>
          %swap3A_317 = arith.index_cast %add3A_308 : i32 to index
          %swap3A_318 = tpu.vector_load %arg12[%swap3A_317] {strides = array<i32>} : memref<4096xf32, #tpu.memory_space<vmem>>, vector<16xf32>,
          tpu.vector_store %arg12[%swap3A_317], %add3A_316 {strides = array<i32>} : memref<4096xf32, #tpu.memory_space<vmem>>, vector<16xf32>,
          %get3A_319 = arith.index_cast %add3A_308 : i32 to index
          %get3A_320 = tpu.vector_load %arg11[%get3A_319] {strides = array<i32>} : memref<4096xf32, #tpu.memory_space<vmem>>, vector<16xf32>,
          %max3A_321 = arith.maximumf %get3A_320, %while3A_304#16 : vector<16xf32>
          %swap3A_322 = arith.index_cast %add3A_308 : i32 to index
          %swap3A_323 = tpu.vector_load %arg11[%swap3A_322] {strides = array<i32>} : memref<4096xf32, #tpu.memory_space<vmem>>, vector<16xf32>,
          tpu.vector_store %arg11[%swap3A_322], %max3A_321 {strides = array<i32>} : memref<4096xf32, #tpu.memory_space<vmem>>, vector<16xf32>,
          %mul3A_324 = arith.constant 128 : i32
          %mul3A_325 = arith.muli %scan3A_284, %mul3A_324 : i32
          %add3A_326 = arith.constant 16 : i32
          %add3A_327 = arith.addi %mul3A_325, %add3A_326 : i32
          %get3A_328 = arith.index_cast %add3A_327 : i32 to index
          %get3A_329 = tpu.vector_load %arg10[%get3A_328] {strides = array<i32>} : memref<4096xf32, #tpu.memory_space<vmem>>, vector<16xf32>,
          %add3A_330 = arith.addf %get3A_329, %while3A_304#1 : vector<16xf32>
          %swap3A_331 = arith.index_cast %add3A_327 : i32 to index
          %swap3A_332 = tpu.vector_load %arg10[%swap3A_331] {strides = array<i32>} : memref<4096xf32, #tpu.memory_space<vmem>>, vector<16xf32>,
          tpu.vector_store %arg10[%swap3A_331], %add3A_330 {strides = array<i32>} : memref<4096xf32, #tpu.memory_space<vmem>>, vector<16xf32>,
          %get3A_333 = arith.index_cast %add3A_327 : i32 to index
          %get3A_334 = tpu.vector_load %arg12[%get3A_333] {strides = array<i32>} : memref<4096xf32, #tpu.memory_space<vmem>>, vector<16xf32>,
          %add3A_335 = arith.addf %get3A_334, %while3A_304#9 : vector<16xf32>
          %swap3A_336 = arith.index_cast %add3A_327 : i32 to index
          %swap3A_337 = tpu.vector_load %arg12[%swap3A_336] {strides = array<i32>} : memref<4096xf32, #tpu.memory_space<vmem>>, vector<16xf32>,
          tpu.vector_store %arg12[%swap3A_336], %add3A_335 {strides = array<i32>} : memref<4096xf32, #tpu.memory_space<vmem>>, vector<16xf32>,
          %get3A_338 = arith.index_cast %add3A_327 : i32 to index
          %get3A_339 = tpu.vector_load %arg11[%get3A_338] {strides = array<i32>} : memref<4096xf32, #tpu.memory_space<vmem>>, vector<16xf32>,
          %max3A_340 = arith.maximumf %get3A_339, %while3A_304#17 : vector<16xf32>
          %swap3A_341 = arith.index_cast %add3A_327 : i32 to index
          %swap3A_342 = tpu.vector_load %arg11[%swap3A_341] {strides = array<i32>} : memref<4096xf32, #tpu.memory_space<vmem>>, vector<16xf32>,
          tpu.vector_store %arg11[%swap3A_341], %max3A_340 {strides = array<i32>} : memref<4096xf32, #tpu.memory_space<vmem>>, vector<16xf32>,
          %mul3A_343 = arith.constant 128 : i32
          %mul3A_344 = arith.muli %scan3A_284, %mul3A_343 : i32
          %add3A_345 = arith.constant 32 : i32
          %add3A_346 = arith.addi %mul3A_344, %add3A_345 : i32
          %get3A_347 = arith.index_cast %add3A_346 : i32 to index
          %get3A_348 = tpu.vector_load %arg10[%get3A_347] {strides = array<i32>} : memref<4096xf32, #tpu.memory_space<vmem>>, vector<16xf32>,
          %add3A_349 = arith.addf %get3A_348, %while3A_304#2 : vector<16xf32>
          %swap3A_350 = arith.index_cast %add3A_346 : i32 to index
          %swap3A_351 = tpu.vector_load %arg10[%swap3A_350] {strides = array<i32>} : memref<4096xf32, #tpu.memory_space<vmem>>, vector<16xf32>,
          tpu.vector_store %arg10[%swap3A_350], %add3A_349 {strides = array<i32>} : memref<4096xf32, #tpu.memory_space<vmem>>, vector<16xf32>,
          %get3A_352 = arith.index_cast %add3A_346 : i32 to index
          %get3A_353 = tpu.vector_load %arg12[%get3A_352] {strides = array<i32>} : memref<4096xf32, #tpu.memory_space<vmem>>, vector<16xf32>,
          %add3A_354 = arith.addf %get3A_353, %while3A_304#10 : vector<16xf32>
          %swap3A_355 = arith.index_cast %add3A_346 : i32 to index
          %swap3A_356 = tpu.vector_load %arg12[%swap3A_355] {strides = array<i32>} : memref<4096xf32, #tpu.memory_space<vmem>>, vector<16xf32>,
          tpu.vector_store %arg12[%swap3A_355], %add3A_354 {strides = array<i32>} : memref<4096xf32, #tpu.memory_space<vmem>>, vector<16xf32>,
          %get3A_357 = arith.index_cast %add3A_346 : i32 to index
          %get3A_358 = tpu.vector_load %arg11[%get3A_357] {strides = array<i32>} : memref<4096xf32, #tpu.memory_space<vmem>>, vector<16xf32>,
          %max3A_359 = arith.maximumf %get3A_358, %while3A_304#18 : vector<16xf32>
          %swap3A_360 = arith.index_cast %add3A_346 : i32 to index
          %swap3A_361 = tpu.vector_load %arg11[%swap3A_360] {strides = array<i32>} : memref<4096xf32, #tpu.memory_space<vmem>>, vector<16xf32>,
          tpu.vector_store %arg11[%swap3A_360], %max3A_359 {strides = array<i32>} : memref<4096xf32, #tpu.memory_space<vmem>>, vector<16xf32>,
          %mul3A_362 = arith.constant 128 : i32
          %mul3A_363 = arith.muli %scan3A_284, %mul3A_362 : i32
          %add3A_364 = arith.constant 48 : i32
          %add3A_365 = arith.addi %mul3A_363, %add3A_364 : i32
          %get3A_366 = arith.index_cast %add3A_365 : i32 to index
          %get3A_367 = tpu.vector_load %arg10[%get3A_366] {strides = array<i32>} : memref<4096xf32, #tpu.memory_space<vmem>>, vector<16xf32>,
          %add3A_368 = arith.addf %get3A_367, %while3A_304#3 : vector<16xf32>
          %swap3A_369 = arith.index_cast %add3A_365 : i32 to index
          %swap3A_370 = tpu.vector_load %arg10[%swap3A_369] {strides = array<i32>} : memref<4096xf32, #tpu.memory_space<vmem>>, vector<16xf32>,
          tpu.vector_store %arg10[%swap3A_369], %add3A_368 {strides = array<i32>} : memref<4096xf32, #tpu.memory_space<vmem>>, vector<16xf32>,
          %get3A_371 = arith.index_cast %add3A_365 : i32 to index
          %get3A_372 = tpu.vector_load %arg12[%get3A_371] {strides = array<i32>} : memref<4096xf32, #tpu.memory_space<vmem>>, vector<16xf32>,
          %add3A_373 = arith.addf %get3A_372, %while3A_304#11 : vector<16xf32>
          %swap3A_374 = arith.index_cast %add3A_365 : i32 to index
          %swap3A_375 = tpu.vector_load %arg12[%swap3A_374] {strides = array<i32>} : memref<4096xf32, #tpu.memory_space<vmem>>, vector<16xf32>,
          tpu.vector_store %arg12[%swap3A_374], %add3A_373 {strides = array<i32>} : memref<4096xf32, #tpu.memory_space<vmem>>, vector<16xf32>,
          %get3A_376 = arith.index_cast %add3A_365 : i32 to index
          %get3A_377 = tpu.vector_load %arg11[%get3A_376] {strides = array<i32>} : memref<4096xf32, #tpu.memory_space<vmem>>, vector<16xf32>,
          %max3A_378 = arith.maximumf %get3A_377, %while3A_304#19 : vector<16xf32>
          %swap3A_379 = arith.index_cast %add3A_365 : i32 to index
          %swap3A_380 = tpu.vector_load %arg11[%swap3A_379] {strides = array<i32>} : memref<4096xf32, #tpu.memory_space<vmem>>, vector<16xf32>,
          tpu.vector_store %arg11[%swap3A_379], %max3A_378 {strides = array<i32>} : memref<4096xf32, #tpu.memory_space<vmem>>, vector<16xf32>,
          %mul3A_381 = arith.constant 128 : i32
          %mul3A_382 = arith.muli %scan3A_284, %mul3A_381 : i32
          %add3A_383 = arith.constant 64 : i32
          %add3A_384 = arith.addi %mul3A_382, %add3A_383 : i32
          %get3A_385 = arith.index_cast %add3A_384 : i32 to index
          %get3A_386 = tpu.vector_load %arg10[%get3A_385] {strides = array<i32>} : memref<4096xf32, #tpu.memory_space<vmem>>, vector<16xf32>,
          %add3A_387 = arith.addf %get3A_386, %while3A_304#4 : vector<16xf32>
          %swap3A_388 = arith.index_cast %add3A_384 : i32 to index
          %swap3A_389 = tpu.vector_load %arg10[%swap3A_388] {strides = array<i32>} : memref<4096xf32, #tpu.memory_space<vmem>>, vector<16xf32>,
          tpu.vector_store %arg10[%swap3A_388], %add3A_387 {strides = array<i32>} : memref<4096xf32, #tpu.memory_space<vmem>>, vector<16xf32>,
          %get3A_390 = arith.index_cast %add3A_384 : i32 to index
          %get3A_391 = tpu.vector_load %arg12[%get3A_390] {strides = array<i32>} : memref<4096xf32, #tpu.memory_space<vmem>>, vector<16xf32>,
          %add3A_392 = arith.addf %get3A_391, %while3A_304#12 : vector<16xf32>
          %swap3A_393 = arith.index_cast %add3A_384 : i32 to index
          %swap3A_394 = tpu.vector_load %arg12[%swap3A_393] {strides = array<i32>} : memref<4096xf32, #tpu.memory_space<vmem>>, vector<16xf32>,
          tpu.vector_store %arg12[%swap3A_393], %add3A_392 {strides = array<i32>} : memref<4096xf32, #tpu.memory_space<vmem>>, vector<16xf32>,
          %get3A_395 = arith.index_cast %add3A_384 : i32 to index
          %get3A_396 = tpu.vector_load %arg11[%get3A_395] {strides = array<i32>} : memref<4096xf32, #tpu.memory_space<vmem>>, vector<16xf32>,
          %max3A_397 = arith.maximumf %get3A_396, %while3A_304#20 : vector<16xf32>
          %swap3A_398 = arith.index_cast %add3A_384 : i32 to index
          %swap3A_399 = tpu.vector_load %arg11[%swap3A_398] {strides = array<i32>} : memref<4096xf32, #tpu.memory_space<vmem>>, vector<16xf32>,
          tpu.vector_store %arg11[%swap3A_398], %max3A_397 {strides = array<i32>} : memref<4096xf32, #tpu.memory_space<vmem>>, vector<16xf32>,
          %mul3A_400 = arith.constant 128 : i32
          %mul3A_401 = arith.muli %scan3A_284, %mul3A_400 : i32
          %add3A_402 = arith.constant 80 : i32
          %add3A_403 = arith.addi %mul3A_401, %add3A_402 : i32
          %get3A_404 = arith.index_cast %add3A_403 : i32 to index
          %get3A_405 = tpu.vector_load %arg10[%get3A_404] {strides = array<i32>} : memref<4096xf32, #tpu.memory_space<vmem>>, vector<16xf32>,
          %add3A_406 = arith.addf %get3A_405, %while3A_304#5 : vector<16xf32>
          %swap3A_407 = arith.index_cast %add3A_403 : i32 to index
          %swap3A_408 = tpu.vector_load %arg10[%swap3A_407] {strides = array<i32>} : memref<4096xf32, #tpu.memory_space<vmem>>, vector<16xf32>,
          tpu.vector_store %arg10[%swap3A_407], %add3A_406 {strides = array<i32>} : memref<4096xf32, #tpu.memory_space<vmem>>, vector<16xf32>,
          %get3A_409 = arith.index_cast %add3A_403 : i32 to index
          %get3A_410 = tpu.vector_load %arg12[%get3A_409] {strides = array<i32>} : memref<4096xf32, #tpu.memory_space<vmem>>, vector<16xf32>,
          %add3A_411 = arith.addf %get3A_410, %while3A_304#13 : vector<16xf32>
          %swap3A_412 = arith.index_cast %add3A_403 : i32 to index
          %swap3A_413 = tpu.vector_load %arg12[%swap3A_412] {strides = array<i32>} : memref<4096xf32, #tpu.memory_space<vmem>>, vector<16xf32>,
          tpu.vector_store %arg12[%swap3A_412], %add3A_411 {strides = array<i32>} : memref<4096xf32, #tpu.memory_space<vmem>>, vector<16xf32>,
          %get3A_414 = arith.index_cast %add3A_403 : i32 to index
          %get3A_415 = tpu.vector_load %arg11[%get3A_414] {strides = array<i32>} : memref<4096xf32, #tpu.memory_space<vmem>>, vector<16xf32>,
          %max3A_416 = arith.maximumf %get3A_415, %while3A_304#21 : vector<16xf32>
          %swap3A_417 = arith.index_cast %add3A_403 : i32 to index
          %swap3A_418 = tpu.vector_load %arg11[%swap3A_417] {strides = array<i32>} : memref<4096xf32, #tpu.memory_space<vmem>>, vector<16xf32>,
          tpu.vector_store %arg11[%swap3A_417], %max3A_416 {strides = array<i32>} : memref<4096xf32, #tpu.memory_space<vmem>>, vector<16xf32>,
          %mul3A_419 = arith.constant 128 : i32
          %mul3A_420 = arith.muli %scan3A_284, %mul3A_419 : i32
          %add3A_421 = arith.constant 96 : i32
          %add3A_422 = arith.addi %mul3A_420, %add3A_421 : i32
          %get3A_423 = arith.index_cast %add3A_422 : i32 to index
          %get3A_424 = tpu.vector_load %arg10[%get3A_423] {strides = array<i32>} : memref<4096xf32, #tpu.memory_space<vmem>>, vector<16xf32>,
          %add3A_425 = arith.addf %get3A_424, %while3A_304#6 : vector<16xf32>
          %swap3A_426 = arith.index_cast %add3A_422 : i32 to index
          %swap3A_427 = tpu.vector_load %arg10[%swap3A_426] {strides = array<i32>} : memref<4096xf32, #tpu.memory_space<vmem>>, vector<16xf32>,
          tpu.vector_store %arg10[%swap3A_426], %add3A_425 {strides = array<i32>} : memref<4096xf32, #tpu.memory_space<vmem>>, vector<16xf32>,
          %get3A_428 = arith.index_cast %add3A_422 : i32 to index
          %get3A_429 = tpu.vector_load %arg12[%get3A_428] {strides = array<i32>} : memref<4096xf32, #tpu.memory_space<vmem>>, vector<16xf32>,
          %add3A_430 = arith.addf %get3A_429, %while3A_304#14 : vector<16xf32>
          %swap3A_431 = arith.index_cast %add3A_422 : i32 to index
          %swap3A_432 = tpu.vector_load %arg12[%swap3A_431] {strides = array<i32>} : memref<4096xf32, #tpu.memory_space<vmem>>, vector<16xf32>,
          tpu.vector_store %arg12[%swap3A_431], %add3A_430 {strides = array<i32>} : memref<4096xf32, #tpu.memory_space<vmem>>, vector<16xf32>,
          %get3A_433 = arith.index_cast %add3A_422 : i32 to index
          %get3A_434 = tpu.vector_load %arg11[%get3A_433] {strides = array<i32>} : memref<4096xf32, #tpu.memory_space<vmem>>, vector<16xf32>,
          %max3A_435 = arith.maximumf %get3A_434, %while3A_304#22 : vector<16xf32>
          %swap3A_436 = arith.index_cast %add3A_422 : i32 to index
          %swap3A_437 = tpu.vector_load %arg11[%swap3A_436] {strides = array<i32>} : memref<4096xf32, #tpu.memory_space<vmem>>, vector<16xf32>,
          tpu.vector_store %arg11[%swap3A_436], %max3A_435 {strides = array<i32>} : memref<4096xf32, #tpu.memory_space<vmem>>, vector<16xf32>,
          %mul3A_438 = arith.constant 128 : i32
          %mul3A_439 = arith.muli %scan3A_284, %mul3A_438 : i32
          %add3A_440 = arith.constant 112 : i32
          %add3A_441 = arith.addi %mul3A_439, %add3A_440 : i32
          %get3A_442 = arith.index_cast %add3A_441 : i32 to index
          %get3A_443 = tpu.vector_load %arg10[%get3A_442] {strides = array<i32>} : memref<4096xf32, #tpu.memory_space<vmem>>, vector<16xf32>,
          %add3A_444 = arith.addf %get3A_443, %while3A_304#7 : vector<16xf32>
          %swap3A_445 = arith.index_cast %add3A_441 : i32 to index
          %swap3A_446 = tpu.vector_load %arg10[%swap3A_445] {strides = array<i32>} : memref<4096xf32, #tpu.memory_space<vmem>>, vector<16xf32>,
          tpu.vector_store %arg10[%swap3A_445], %add3A_444 {strides = array<i32>} : memref<4096xf32, #tpu.memory_space<vmem>>, vector<16xf32>,
          %get3A_447 = arith.index_cast %add3A_441 : i32 to index
          %get3A_448 = tpu.vector_load %arg12[%get3A_447] {strides = array<i32>} : memref<4096xf32, #tpu.memory_space<vmem>>, vector<16xf32>,
          %add3A_449 = arith.addf %get3A_448, %while3A_304#15 : vector<16xf32>
          %swap3A_450 = arith.index_cast %add3A_441 : i32 to index
          %swap3A_451 = tpu.vector_load %arg12[%swap3A_450] {strides = array<i32>} : memref<4096xf32, #tpu.memory_space<vmem>>, vector<16xf32>,
          tpu.vector_store %arg12[%swap3A_450], %add3A_449 {strides = array<i32>} : memref<4096xf32, #tpu.memory_space<vmem>>, vector<16xf32>,
          %get3A_452 = arith.index_cast %add3A_441 : i32 to index
          %get3A_453 = tpu.vector_load %arg11[%get3A_452] {strides = array<i32>} : memref<4096xf32, #tpu.memory_space<vmem>>, vector<16xf32>,
          %max3A_454 = arith.maximumf %get3A_453, %while3A_304#23 : vector<16xf32>
          %swap3A_455 = arith.index_cast %add3A_441 : i32 to index
          %swap3A_456 = tpu.vector_load %arg11[%swap3A_455] {strides = array<i32>} : memref<4096xf32, #tpu.memory_space<vmem>>, vector<16xf32>,
          tpu.vector_store %arg11[%swap3A_455], %max3A_454 {strides = array<i32>} : memref<4096xf32, #tpu.memory_space<vmem>>, vector<16xf32>,
        } else {
        }
        %scan3A_294 = arith.constant 0 : i32
        scf.yield %scan3A_294 : i32
      }
      %scan3A_282 = arith.constant 32 : i32
      %while3A_283 = arith.constant 0 : i32
      scf.yield %while3A_283 : i32
    }
    %scan3A_261 = arith.constant 0 : i32
    %scan3A_262 = arith.constant 0 : i32
    %scan3A_263 = arith.constant 32 : i32
    %scan3A_264 = arith.addi %scan3A_262, %scan3A_263 : i32
    %scan3A_265 = arith.constant 1 : i32
    %scan3A_266 = scf.for %scan3A_268 = %scan3A_262 to %scan3A_264 step %scan3A_265 iter_args(%scan3A_269 = %scan3A_261) -> (i32)  : i32 {
      %add3A_270 = arith.constant 1 : i32
      %add3A_271 = arith.addi %scan3A_268, %add3A_270 : i32
      %get3A_272 = arith.index_cast %add3A_271 : i32 to index
      %get3A_273 = memref.load %arg9[%get3A_272] : memref<48xi32, #tpu.memory_space<smem>>
      %get3A_274 = arith.index_cast %scan3A_268 : i32 to index
      %get3A_275 = memref.load %arg9[%get3A_274] : memref<48xi32, #tpu.memory_space<smem>>
      %sub3A_276 = arith.subi %get3A_273, %get3A_275 : i32
      %broadcast_in_dim3A_277 = vector.broadcast %sub3A_276 : i32 to vector<16xi32>
      %convert_element_type3A = arith.sitofp %broadcast_in_dim3A_277 : vector<16xi32> to vector<16xf32>
      %max3A = arith.constant 1.000000e+00 : f32
      %max3A_278 = vector.broadcast %max3A : f32 to vector<16xf32>
      %max3A_279 = arith.maximumf %convert_element_type3A, %max3A_278 : vector<16xf32>
      %div3A_280 = arith.constant 1.000000e+00 : f32
      %div3A_281 = vector.broadcast %div3A_280 : f32 to vector<16xf32>
      %div3A_282 = arith.divf %div3A_281, %max3A_279 : vector<16xf32>
      %gt3A = arith.constant 0 : i32
      %gt3A_283 = arith.cmpi sgt, %sub3A_276, %gt3A : i32
      %mul3A_284 = arith.constant 128 : i32
      %mul3A_285 = arith.muli %scan3A_268, %mul3A_284 : i32
      %add3A_286 = arith.constant 0 : i32
      %add3A_287 = arith.addi %mul3A_285, %add3A_286 : i32
      %get3A_288 = arith.index_cast %add3A_287 : i32 to index
      %get3A_289 = tpu.vector_load %arg10[%get3A_288] {strides = array<i32>} : memref<4096xf32, #tpu.memory_space<vmem>>, vector<16xf32>,
      %mul3A_290 = arith.mulf %get3A_289, %div3A_282 : vector<16xf32>
      %swap3A_291 = arith.index_cast %scan3A_268 : i32 to index
      %swap3A_292 = arith.constant 0 : index
      %swap3A_293 = tpu.vector_load %arg13[%swap3A_291, %swap3A_292] {strides = array<i32>} : memref<32x384xf32, #tpu.memory_space<vmem>>, vector<16xf32>,
      tpu.vector_store %arg13[%swap3A_291, %swap3A_292], %mul3A_290 {strides = array<i32>} : memref<32x384xf32, #tpu.memory_space<vmem>>, vector<16xf32>,
      %mul3A_294 = arith.constant 128 : i32
      %mul3A_295 = arith.muli %scan3A_268, %mul3A_294 : i32
      %add3A_296 = arith.constant 0 : i32
      %add3A_297 = arith.addi %mul3A_295, %add3A_296 : i32
      %get3A_298 = arith.index_cast %add3A_297 : i32 to index
      %get3A_299 = tpu.vector_load %arg11[%get3A_298] {strides = array<i32>} : memref<4096xf32, #tpu.memory_space<vmem>>, vector<16xf32>,
      %select_n3A_300 = arith.select %gt3A_283, %get3A_299, %broadcast_in_dim3A_188 : vector<16xf32>
      %swap3A_301 = arith.index_cast %scan3A_268 : i32 to index
      %swap3A_302 = arith.constant 128 : index
      %swap3A_303 = tpu.vector_load %arg13[%swap3A_301, %swap3A_302] {strides = array<i32>} : memref<32x384xf32, #tpu.memory_space<vmem>>, vector<16xf32>,
      tpu.vector_store %arg13[%swap3A_301, %swap3A_302], %select_n3A_300 {strides = array<i32>} : memref<32x384xf32, #tpu.memory_space<vmem>>, vector<16xf32>,
      %mul3A_304 = arith.constant 128 : i32
      %mul3A_305 = arith.muli %scan3A_268, %mul3A_304 : i32
      %add3A_306 = arith.constant 0 : i32
      %add3A_307 = arith.addi %mul3A_305, %add3A_306 : i32
      %get3A_308 = arith.index_cast %add3A_307 : i32 to index
      %get3A_309 = tpu.vector_load %arg12[%get3A_308] {strides = array<i32>} : memref<4096xf32, #tpu.memory_space<vmem>>, vector<16xf32>,
      %swap3A_310 = arith.index_cast %scan3A_268 : i32 to index
      %swap3A_311 = arith.constant 256 : index
      %swap3A_312 = tpu.vector_load %arg13[%swap3A_310, %swap3A_311] {strides = array<i32>} : memref<32x384xf32, #tpu.memory_space<vmem>>, vector<16xf32>,
      tpu.vector_store %arg13[%swap3A_310, %swap3A_311], %get3A_309 {strides = array<i32>} : memref<32x384xf32, #tpu.memory_space<vmem>>, vector<16xf32>,
      %mul3A_313 = arith.constant 128 : i32
      %mul3A_314 = arith.muli %scan3A_268, %mul3A_313 : i32
      %add3A_315 = arith.constant 16 : i32
      %add3A_316 = arith.addi %mul3A_314, %add3A_315 : i32
      %get3A_317 = arith.index_cast %add3A_316 : i32 to index
      %get3A_318 = tpu.vector_load %arg10[%get3A_317] {strides = array<i32>} : memref<4096xf32, #tpu.memory_space<vmem>>, vector<16xf32>,
      %mul3A_319 = arith.mulf %get3A_318, %div3A_282 : vector<16xf32>
      %swap3A_320 = arith.index_cast %scan3A_268 : i32 to index
      %swap3A_321 = arith.constant 16 : index
      %swap3A_322 = tpu.vector_load %arg13[%swap3A_320, %swap3A_321] {strides = array<i32>} : memref<32x384xf32, #tpu.memory_space<vmem>>, vector<16xf32>,
      tpu.vector_store %arg13[%swap3A_320, %swap3A_321], %mul3A_319 {strides = array<i32>} : memref<32x384xf32, #tpu.memory_space<vmem>>, vector<16xf32>,
      %mul3A_323 = arith.constant 128 : i32
      %mul3A_324 = arith.muli %scan3A_268, %mul3A_323 : i32
      %add3A_325 = arith.constant 16 : i32
      %add3A_326 = arith.addi %mul3A_324, %add3A_325 : i32
      %get3A_327 = arith.index_cast %add3A_326 : i32 to index
      %get3A_328 = tpu.vector_load %arg11[%get3A_327] {strides = array<i32>} : memref<4096xf32, #tpu.memory_space<vmem>>, vector<16xf32>,
      %select_n3A_329 = arith.select %gt3A_283, %get3A_328, %broadcast_in_dim3A_188 : vector<16xf32>
      %swap3A_330 = arith.index_cast %scan3A_268 : i32 to index
      %swap3A_331 = arith.constant 144 : index
      %swap3A_332 = tpu.vector_load %arg13[%swap3A_330, %swap3A_331] {strides = array<i32>} : memref<32x384xf32, #tpu.memory_space<vmem>>, vector<16xf32>,
      tpu.vector_store %arg13[%swap3A_330, %swap3A_331], %select_n3A_329 {strides = array<i32>} : memref<32x384xf32, #tpu.memory_space<vmem>>, vector<16xf32>,
      %mul3A_333 = arith.constant 128 : i32
      %mul3A_334 = arith.muli %scan3A_268, %mul3A_333 : i32
      %add3A_335 = arith.constant 16 : i32
      %add3A_336 = arith.addi %mul3A_334, %add3A_335 : i32
      %get3A_337 = arith.index_cast %add3A_336 : i32 to index
      %get3A_338 = tpu.vector_load %arg12[%get3A_337] {strides = array<i32>} : memref<4096xf32, #tpu.memory_space<vmem>>, vector<16xf32>,
      %swap3A_339 = arith.index_cast %scan3A_268 : i32 to index
      %swap3A_340 = arith.constant 272 : index
      %swap3A_341 = tpu.vector_load %arg13[%swap3A_339, %swap3A_340] {strides = array<i32>} : memref<32x384xf32, #tpu.memory_space<vmem>>, vector<16xf32>,
      tpu.vector_store %arg13[%swap3A_339, %swap3A_340], %get3A_338 {strides = array<i32>} : memref<32x384xf32, #tpu.memory_space<vmem>>, vector<16xf32>,
      %mul3A_342 = arith.constant 128 : i32
      %mul3A_343 = arith.muli %scan3A_268, %mul3A_342 : i32
      %add3A_344 = arith.constant 32 : i32
      %add3A_345 = arith.addi %mul3A_343, %add3A_344 : i32
      %get3A_346 = arith.index_cast %add3A_345 : i32 to index
      %get3A_347 = tpu.vector_load %arg10[%get3A_346] {strides = array<i32>} : memref<4096xf32, #tpu.memory_space<vmem>>, vector<16xf32>,
      %mul3A_348 = arith.mulf %get3A_347, %div3A_282 : vector<16xf32>
      %swap3A_349 = arith.index_cast %scan3A_268 : i32 to index
      %swap3A_350 = arith.constant 32 : index
      %swap3A_351 = tpu.vector_load %arg13[%swap3A_349, %swap3A_350] {strides = array<i32>} : memref<32x384xf32, #tpu.memory_space<vmem>>, vector<16xf32>,
      tpu.vector_store %arg13[%swap3A_349, %swap3A_350], %mul3A_348 {strides = array<i32>} : memref<32x384xf32, #tpu.memory_space<vmem>>, vector<16xf32>,
      %mul3A_352 = arith.constant 128 : i32
      %mul3A_353 = arith.muli %scan3A_268, %mul3A_352 : i32
      %add3A_354 = arith.constant 32 : i32
      %add3A_355 = arith.addi %mul3A_353, %add3A_354 : i32
      %get3A_356 = arith.index_cast %add3A_355 : i32 to index
      %get3A_357 = tpu.vector_load %arg11[%get3A_356] {strides = array<i32>} : memref<4096xf32, #tpu.memory_space<vmem>>, vector<16xf32>,
      %select_n3A_358 = arith.select %gt3A_283, %get3A_357, %broadcast_in_dim3A_188 : vector<16xf32>
      %swap3A_359 = arith.index_cast %scan3A_268 : i32 to index
      %swap3A_360 = arith.constant 160 : index
      %swap3A_361 = tpu.vector_load %arg13[%swap3A_359, %swap3A_360] {strides = array<i32>} : memref<32x384xf32, #tpu.memory_space<vmem>>, vector<16xf32>,
      tpu.vector_store %arg13[%swap3A_359, %swap3A_360], %select_n3A_358 {strides = array<i32>} : memref<32x384xf32, #tpu.memory_space<vmem>>, vector<16xf32>,
      %mul3A_362 = arith.constant 128 : i32
      %mul3A_363 = arith.muli %scan3A_268, %mul3A_362 : i32
      %add3A_364 = arith.constant 32 : i32
      %add3A_365 = arith.addi %mul3A_363, %add3A_364 : i32
      %get3A_366 = arith.index_cast %add3A_365 : i32 to index
      %get3A_367 = tpu.vector_load %arg12[%get3A_366] {strides = array<i32>} : memref<4096xf32, #tpu.memory_space<vmem>>, vector<16xf32>,
      %swap3A_368 = arith.index_cast %scan3A_268 : i32 to index
      %swap3A_369 = arith.constant 288 : index
      %swap3A_370 = tpu.vector_load %arg13[%swap3A_368, %swap3A_369] {strides = array<i32>} : memref<32x384xf32, #tpu.memory_space<vmem>>, vector<16xf32>,
      tpu.vector_store %arg13[%swap3A_368, %swap3A_369], %get3A_367 {strides = array<i32>} : memref<32x384xf32, #tpu.memory_space<vmem>>, vector<16xf32>,
      %mul3A_371 = arith.constant 128 : i32
      %mul3A_372 = arith.muli %scan3A_268, %mul3A_371 : i32
      %add3A_373 = arith.constant 48 : i32
      %add3A_374 = arith.addi %mul3A_372, %add3A_373 : i32
      %get3A_375 = arith.index_cast %add3A_374 : i32 to index
      %get3A_376 = tpu.vector_load %arg10[%get3A_375] {strides = array<i32>} : memref<4096xf32, #tpu.memory_space<vmem>>, vector<16xf32>,
      %mul3A_377 = arith.mulf %get3A_376, %div3A_282 : vector<16xf32>
      %swap3A_378 = arith.index_cast %scan3A_268 : i32 to index
      %swap3A_379 = arith.constant 48 : index
      %swap3A_380 = tpu.vector_load %arg13[%swap3A_378, %swap3A_379] {strides = array<i32>} : memref<32x384xf32, #tpu.memory_space<vmem>>, vector<16xf32>,
      tpu.vector_store %arg13[%swap3A_378, %swap3A_379], %mul3A_377 {strides = array<i32>} : memref<32x384xf32, #tpu.memory_space<vmem>>, vector<16xf32>,
      %mul3A_381 = arith.constant 128 : i32
      %mul3A_382 = arith.muli %scan3A_268, %mul3A_381 : i32
      %add3A_383 = arith.constant 48 : i32
      %add3A_384 = arith.addi %mul3A_382, %add3A_383 : i32
      %get3A_385 = arith.index_cast %add3A_384 : i32 to index
      %get3A_386 = tpu.vector_load %arg11[%get3A_385] {strides = array<i32>} : memref<4096xf32, #tpu.memory_space<vmem>>, vector<16xf32>,
      %select_n3A_387 = arith.select %gt3A_283, %get3A_386, %broadcast_in_dim3A_188 : vector<16xf32>
      %swap3A_388 = arith.index_cast %scan3A_268 : i32 to index
      %swap3A_389 = arith.constant 176 : index
      %swap3A_390 = tpu.vector_load %arg13[%swap3A_388, %swap3A_389] {strides = array<i32>} : memref<32x384xf32, #tpu.memory_space<vmem>>, vector<16xf32>,
      tpu.vector_store %arg13[%swap3A_388, %swap3A_389], %select_n3A_387 {strides = array<i32>} : memref<32x384xf32, #tpu.memory_space<vmem>>, vector<16xf32>,
      %mul3A_391 = arith.constant 128 : i32
      %mul3A_392 = arith.muli %scan3A_268, %mul3A_391 : i32
      %add3A_393 = arith.constant 48 : i32
      %add3A_394 = arith.addi %mul3A_392, %add3A_393 : i32
      %get3A_395 = arith.index_cast %add3A_394 : i32 to index
      %get3A_396 = tpu.vector_load %arg12[%get3A_395] {strides = array<i32>} : memref<4096xf32, #tpu.memory_space<vmem>>, vector<16xf32>,
      %swap3A_397 = arith.index_cast %scan3A_268 : i32 to index
      %swap3A_398 = arith.constant 304 : index
      %swap3A_399 = tpu.vector_load %arg13[%swap3A_397, %swap3A_398] {strides = array<i32>} : memref<32x384xf32, #tpu.memory_space<vmem>>, vector<16xf32>,
      tpu.vector_store %arg13[%swap3A_397, %swap3A_398], %get3A_396 {strides = array<i32>} : memref<32x384xf32, #tpu.memory_space<vmem>>, vector<16xf32>,
      %mul3A_400 = arith.constant 128 : i32
      %mul3A_401 = arith.muli %scan3A_268, %mul3A_400 : i32
      %add3A_402 = arith.constant 64 : i32
      %add3A_403 = arith.addi %mul3A_401, %add3A_402 : i32
      %get3A_404 = arith.index_cast %add3A_403 : i32 to index
      %get3A_405 = tpu.vector_load %arg10[%get3A_404] {strides = array<i32>} : memref<4096xf32, #tpu.memory_space<vmem>>, vector<16xf32>,
      %mul3A_406 = arith.mulf %get3A_405, %div3A_282 : vector<16xf32>
      %swap3A_407 = arith.index_cast %scan3A_268 : i32 to index
      %swap3A_408 = arith.constant 64 : index
      %swap3A_409 = tpu.vector_load %arg13[%swap3A_407, %swap3A_408] {strides = array<i32>} : memref<32x384xf32, #tpu.memory_space<vmem>>, vector<16xf32>,
      tpu.vector_store %arg13[%swap3A_407, %swap3A_408], %mul3A_406 {strides = array<i32>} : memref<32x384xf32, #tpu.memory_space<vmem>>, vector<16xf32>,
      %mul3A_410 = arith.constant 128 : i32
      %mul3A_411 = arith.muli %scan3A_268, %mul3A_410 : i32
      %add3A_412 = arith.constant 64 : i32
      %add3A_413 = arith.addi %mul3A_411, %add3A_412 : i32
      %get3A_414 = arith.index_cast %add3A_413 : i32 to index
      %get3A_415 = tpu.vector_load %arg11[%get3A_414] {strides = array<i32>} : memref<4096xf32, #tpu.memory_space<vmem>>, vector<16xf32>,
      %select_n3A_416 = arith.select %gt3A_283, %get3A_415, %broadcast_in_dim3A_188 : vector<16xf32>
      %swap3A_417 = arith.index_cast %scan3A_268 : i32 to index
      %swap3A_418 = arith.constant 192 : index
      %swap3A_419 = tpu.vector_load %arg13[%swap3A_417, %swap3A_418] {strides = array<i32>} : memref<32x384xf32, #tpu.memory_space<vmem>>, vector<16xf32>,
      tpu.vector_store %arg13[%swap3A_417, %swap3A_418], %select_n3A_416 {strides = array<i32>} : memref<32x384xf32, #tpu.memory_space<vmem>>, vector<16xf32>,
      %mul3A_420 = arith.constant 128 : i32
      %mul3A_421 = arith.muli %scan3A_268, %mul3A_420 : i32
      %add3A_422 = arith.constant 64 : i32
      %add3A_423 = arith.addi %mul3A_421, %add3A_422 : i32
      %get3A_424 = arith.index_cast %add3A_423 : i32 to index
      %get3A_425 = tpu.vector_load %arg12[%get3A_424] {strides = array<i32>} : memref<4096xf32, #tpu.memory_space<vmem>>, vector<16xf32>,
      %swap3A_426 = arith.index_cast %scan3A_268 : i32 to index
      %swap3A_427 = arith.constant 320 : index
      %swap3A_428 = tpu.vector_load %arg13[%swap3A_426, %swap3A_427] {strides = array<i32>} : memref<32x384xf32, #tpu.memory_space<vmem>>, vector<16xf32>,
      tpu.vector_store %arg13[%swap3A_426, %swap3A_427], %get3A_425 {strides = array<i32>} : memref<32x384xf32, #tpu.memory_space<vmem>>, vector<16xf32>,
      %mul3A_429 = arith.constant 128 : i32
      %mul3A_430 = arith.muli %scan3A_268, %mul3A_429 : i32
      %add3A_431 = arith.constant 80 : i32
      %add3A_432 = arith.addi %mul3A_430, %add3A_431 : i32
      %get3A_433 = arith.index_cast %add3A_432 : i32 to index
      %get3A_434 = tpu.vector_load %arg10[%get3A_433] {strides = array<i32>} : memref<4096xf32, #tpu.memory_space<vmem>>, vector<16xf32>,
      %mul3A_435 = arith.mulf %get3A_434, %div3A_282 : vector<16xf32>
      %swap3A_436 = arith.index_cast %scan3A_268 : i32 to index
      %swap3A_437 = arith.constant 80 : index
      %swap3A_438 = tpu.vector_load %arg13[%swap3A_436, %swap3A_437] {strides = array<i32>} : memref<32x384xf32, #tpu.memory_space<vmem>>, vector<16xf32>,
      tpu.vector_store %arg13[%swap3A_436, %swap3A_437], %mul3A_435 {strides = array<i32>} : memref<32x384xf32, #tpu.memory_space<vmem>>, vector<16xf32>,
      %mul3A_439 = arith.constant 128 : i32
      %mul3A_440 = arith.muli %scan3A_268, %mul3A_439 : i32
      %add3A_441 = arith.constant 80 : i32
      %add3A_442 = arith.addi %mul3A_440, %add3A_441 : i32
      %get3A_443 = arith.index_cast %add3A_442 : i32 to index
      %get3A_444 = tpu.vector_load %arg11[%get3A_443] {strides = array<i32>} : memref<4096xf32, #tpu.memory_space<vmem>>, vector<16xf32>,
      %select_n3A_445 = arith.select %gt3A_283, %get3A_444, %broadcast_in_dim3A_188 : vector<16xf32>
      %swap3A_446 = arith.index_cast %scan3A_268 : i32 to index
      %swap3A_447 = arith.constant 208 : index
      %swap3A_448 = tpu.vector_load %arg13[%swap3A_446, %swap3A_447] {strides = array<i32>} : memref<32x384xf32, #tpu.memory_space<vmem>>, vector<16xf32>,
      tpu.vector_store %arg13[%swap3A_446, %swap3A_447], %select_n3A_445 {strides = array<i32>} : memref<32x384xf32, #tpu.memory_space<vmem>>, vector<16xf32>,
      %mul3A_449 = arith.constant 128 : i32
      %mul3A_450 = arith.muli %scan3A_268, %mul3A_449 : i32
      %add3A_451 = arith.constant 80 : i32
      %add3A_452 = arith.addi %mul3A_450, %add3A_451 : i32
      %get3A_453 = arith.index_cast %add3A_452 : i32 to index
      %get3A_454 = tpu.vector_load %arg12[%get3A_453] {strides = array<i32>} : memref<4096xf32, #tpu.memory_space<vmem>>, vector<16xf32>,
      %swap3A_455 = arith.index_cast %scan3A_268 : i32 to index
      %swap3A_456 = arith.constant 336 : index
      %swap3A_457 = tpu.vector_load %arg13[%swap3A_455, %swap3A_456] {strides = array<i32>} : memref<32x384xf32, #tpu.memory_space<vmem>>, vector<16xf32>,
      tpu.vector_store %arg13[%swap3A_455, %swap3A_456], %get3A_454 {strides = array<i32>} : memref<32x384xf32, #tpu.memory_space<vmem>>, vector<16xf32>,
      %mul3A_458 = arith.constant 128 : i32
      %mul3A_459 = arith.muli %scan3A_268, %mul3A_458 : i32
      %add3A_460 = arith.constant 96 : i32
      %add3A_461 = arith.addi %mul3A_459, %add3A_460 : i32
      %get3A_462 = arith.index_cast %add3A_461 : i32 to index
      %get3A_463 = tpu.vector_load %arg10[%get3A_462] {strides = array<i32>} : memref<4096xf32, #tpu.memory_space<vmem>>, vector<16xf32>,
      %mul3A_464 = arith.mulf %get3A_463, %div3A_282 : vector<16xf32>
      %swap3A_465 = arith.index_cast %scan3A_268 : i32 to index
      %swap3A_466 = arith.constant 96 : index
      %swap3A_467 = tpu.vector_load %arg13[%swap3A_465, %swap3A_466] {strides = array<i32>} : memref<32x384xf32, #tpu.memory_space<vmem>>, vector<16xf32>,
      tpu.vector_store %arg13[%swap3A_465, %swap3A_466], %mul3A_464 {strides = array<i32>} : memref<32x384xf32, #tpu.memory_space<vmem>>, vector<16xf32>,
      %mul3A_468 = arith.constant 128 : i32
      %mul3A_469 = arith.muli %scan3A_268, %mul3A_468 : i32
      %add3A_470 = arith.constant 96 : i32
      %add3A_471 = arith.addi %mul3A_469, %add3A_470 : i32
      %get3A_472 = arith.index_cast %add3A_471 : i32 to index
      %get3A_473 = tpu.vector_load %arg11[%get3A_472] {strides = array<i32>} : memref<4096xf32, #tpu.memory_space<vmem>>, vector<16xf32>,
      %select_n3A_474 = arith.select %gt3A_283, %get3A_473, %broadcast_in_dim3A_188 : vector<16xf32>
      %swap3A_475 = arith.index_cast %scan3A_268 : i32 to index
      %swap3A_476 = arith.constant 224 : index
      %swap3A_477 = tpu.vector_load %arg13[%swap3A_475, %swap3A_476] {strides = array<i32>} : memref<32x384xf32, #tpu.memory_space<vmem>>, vector<16xf32>,
      tpu.vector_store %arg13[%swap3A_475, %swap3A_476], %select_n3A_474 {strides = array<i32>} : memref<32x384xf32, #tpu.memory_space<vmem>>, vector<16xf32>,
      %mul3A_478 = arith.constant 128 : i32
      %mul3A_479 = arith.muli %scan3A_268, %mul3A_478 : i32
      %add3A_480 = arith.constant 96 : i32
      %add3A_481 = arith.addi %mul3A_479, %add3A_480 : i32
      %get3A_482 = arith.index_cast %add3A_481 : i32 to index
      %get3A_483 = tpu.vector_load %arg12[%get3A_482] {strides = array<i32>} : memref<4096xf32, #tpu.memory_space<vmem>>, vector<16xf32>,
      %swap3A_484 = arith.index_cast %scan3A_268 : i32 to index
      %swap3A_485 = arith.constant 352 : index
      %swap3A_486 = tpu.vector_load %arg13[%swap3A_484, %swap3A_485] {strides = array<i32>} : memref<32x384xf32, #tpu.memory_space<vmem>>, vector<16xf32>,
      tpu.vector_store %arg13[%swap3A_484, %swap3A_485], %get3A_483 {strides = array<i32>} : memref<32x384xf32, #tpu.memory_space<vmem>>, vector<16xf32>,
      %mul3A_487 = arith.constant 128 : i32
      %mul3A_488 = arith.muli %scan3A_268, %mul3A_487 : i32
      %add3A_489 = arith.constant 112 : i32
      %add3A_490 = arith.addi %mul3A_488, %add3A_489 : i32
      %get3A_491 = arith.index_cast %add3A_490 : i32 to index
      %get3A_492 = tpu.vector_load %arg10[%get3A_491] {strides = array<i32>} : memref<4096xf32, #tpu.memory_space<vmem>>, vector<16xf32>,
      %mul3A_493 = arith.mulf %get3A_492, %div3A_282 : vector<16xf32>
      %swap3A_494 = arith.index_cast %scan3A_268 : i32 to index
      %swap3A_495 = arith.constant 112 : index
      %swap3A_496 = tpu.vector_load %arg13[%swap3A_494, %swap3A_495] {strides = array<i32>} : memref<32x384xf32, #tpu.memory_space<vmem>>, vector<16xf32>,
      tpu.vector_store %arg13[%swap3A_494, %swap3A_495], %mul3A_493 {strides = array<i32>} : memref<32x384xf32, #tpu.memory_space<vmem>>, vector<16xf32>,
      %mul3A_497 = arith.constant 128 : i32
      %mul3A_498 = arith.muli %scan3A_268, %mul3A_497 : i32
      %add3A_499 = arith.constant 112 : i32
      %add3A_500 = arith.addi %mul3A_498, %add3A_499 : i32
      %get3A_501 = arith.index_cast %add3A_500 : i32 to index
      %get3A_502 = tpu.vector_load %arg11[%get3A_501] {strides = array<i32>} : memref<4096xf32, #tpu.memory_space<vmem>>, vector<16xf32>,
      %select_n3A_503 = arith.select %gt3A_283, %get3A_502, %broadcast_in_dim3A_188 : vector<16xf32>
      %swap3A_504 = arith.index_cast %scan3A_268 : i32 to index
      %swap3A_505 = arith.constant 240 : index
      %swap3A_506 = tpu.vector_load %arg13[%swap3A_504, %swap3A_505] {strides = array<i32>} : memref<32x384xf32, #tpu.memory_space<vmem>>, vector<16xf32>,
      tpu.vector_store %arg13[%swap3A_504, %swap3A_505], %select_n3A_503 {strides = array<i32>} : memref<32x384xf32, #tpu.memory_space<vmem>>, vector<16xf32>,
      %mul3A_507 = arith.constant 128 : i32
      %mul3A_508 = arith.muli %scan3A_268, %mul3A_507 : i32
      %add3A_509 = arith.constant 112 : i32
      %add3A_510 = arith.addi %mul3A_508, %add3A_509 : i32
      %get3A_511 = arith.index_cast %add3A_510 : i32 to index
      %get3A_512 = tpu.vector_load %arg12[%get3A_511] {strides = array<i32>} : memref<4096xf32, #tpu.memory_space<vmem>>, vector<16xf32>,
      %swap3A_513 = arith.index_cast %scan3A_268 : i32 to index
      %swap3A_514 = arith.constant 368 : index
      %swap3A_515 = tpu.vector_load %arg13[%swap3A_513, %swap3A_514] {strides = array<i32>} : memref<32x384xf32, #tpu.memory_space<vmem>>, vector<16xf32>,
      tpu.vector_store %arg13[%swap3A_513, %swap3A_514], %get3A_512 {strides = array<i32>} : memref<32x384xf32, #tpu.memory_space<vmem>>, vector<16xf32>,
      %scan3A_516 = arith.constant 0 : i32
      scf.yield %scan3A_516 : i32
    }
    %scan3A_267 = arith.constant 32 : i32
    "tpu.region"() ({
      %run_scoped3A = tpu.sem_alloc : memref<!tpu.dma_semaphore, #tpu.memory_space<semaphore_mem>>
      %dma_start3A = arith.constant 0 : i32
      %dma_start3A_268 = tpu.memref_slice %arg5[%mul3A_2, %dma_start3A] : memref<1024x384xf32, #tpu.memory_space<hbm>> -> memref<32x384xf32, #tpu.memory_space<hbm>>
      %dma_start3A_269 = arith.constant 0 : i32
      %dma_start3A_270 = tpu.memref_slice %arg5[%mul3A_2, %dma_start3A_269] : memref<1024x384xf32, #tpu.memory_space<hbm>> -> memref<32x384xf32, #tpu.memory_space<hbm>>
      tpu.enqueue_dma source(%arg13 : memref<32x384xf32, #tpu.memory_space<vmem>>) target(%dma_start3A_270 : memref<32x384xf32, #tpu.memory_space<hbm>>) target_semaphore(%run_scoped3A : memref<!tpu.dma_semaphore, #tpu.memory_space<semaphore_mem>>)
      %dma_wait3A = arith.constant 0 : i32
      %dma_wait3A_271 = tpu.memref_slice %arg5[%mul3A_2, %dma_wait3A] : memref<1024x384xf32, #tpu.memory_space<hbm>> -> memref<32x384xf32, #tpu.memory_space<hbm>>
      %dma_wait3A_272 = arith.constant 0 : i32
      %dma_wait3A_273 = tpu.memref_slice %arg5[%mul3A_2, %dma_wait3A_272] : memref<1024x384xf32, #tpu.memory_space<hbm>> -> memref<32x384xf32, #tpu.memory_space<hbm>>
      tpu.wait_dma2 semaphore(%run_scoped3A : memref<!tpu.dma_semaphore, #tpu.memory_space<semaphore_mem>>) src(%arg13 : memref<32x384xf32, #tpu.memory_space<vmem>>) dst(%dma_wait3A_273 : memref<32x384xf32, #tpu.memory_space<hbm>>)
      tpu.yield
    }) : () -> ()
    return
  }
}

</mosaic_0001>

<sc_bundles>
// kernel: kernel.3.cloned.1.call-start
scs
__scs_entry_jumppad:
0x0: {  	(pc) =	sbr.rel $0x88, $3  }
0x1: {  	(tag) =	ssettag $0x0;
	lr =	simm.s32 $0x1  }
0x2: {  	[smem:$0x3F9D] =	sst lr;
	_ =	strace $0xD0000000  }
0x3: {  	_ = 	snop  }
0x4: {  	_ = 	snop  }
0x5: {  	_ = 	snop  }
0x6: {  	_ = 	snop  }
0x7: {  	_ = 	snop  }
__scs_overlays_trampoline_lowered:
0x8: {  	[smem:$0x3FAC] =	sst s0  }
0x9: {  	[smem:$0x3FAD] =	sst s1  }
0xa: {  	[smem:$0x3FAE] =	sst s2  }
0xb: {  	[smem:$0x3FAF] =	sst s3  }
0xc: {  	[smem:$0x3FB0] =	sst s4  }
0xd: {  	[smem:$0x3FB1] =	sst s5  }
0xe: {  	[smem:$0x3FB2] =	sst s6  }
0xf: {  	[smem:$0x3FB3] =	sst s7  }
0x10: {  	[smem:$0x3FB4] =	sst s8  }
0x11: {  	[smem:$0x3FB5] =	sst s9;
	s0 =	simm.s32 @!p0 $0x0  }
0x12: {  	s1 =	sld [smem:$0x3F9B];
	s0 =	simm.s32 @p0 $0x1  }
0x13: {  	[smem:$0x3FB6] =	sst s0;
	s0 =	simm.s32 @!p1 $0x0  }
0x14: {  	s2 =	sld [smem:$0x3F9A];
	s0 =	simm.s32 @p1 $0x1  }
0x15: {  	[smem:$0x3FB7] =	sst s0;
	s0 =	simm.s32 @!p2 $0x0  }
0x16: {  	s3 =	sld [smem:$0x3FDB];
	s0 =	simm.s32 @p2 $0x1  }
0x17: {  	s4 =	simm.s32 $0x1BF5;
	[smem:$0x3FB9] =	sst s0  }
0x18: {  	s0 =	sld [smem:$0x3F9C];
	_ =	swait.ge [sflag:s4], $0x0  }
0x19: {  	s7 =	sld [smem:$0x3F9D]  }
0x1a: {  	s8 =	sadd.s32 $0xFFFFE003, lr  }
0x1b: {  	s9 =	sadd.s32 $0xFFFFFEF7, lr;
	s5 =	simm.s32 $0xFFFFFFFF;
	p2 =	slt.u32 s8, $0xFFFFF086  }
0x1c: {  	p1 =	slt.u32 s9, $0xF7A;
	s5 =	simm.s32 @!p2 $0x0  }
0x1d: {  	s5 =	simm.s32 @p1 $0x1;
	p0 =	seq.s32 s7, s2  }
0x1e: {  	s7 =	smul.u32 @!p0 $0xF7A, s2;
	p2 =	seq.s32 @!p0 s5, $0x0  }
0x1f: {  	s9 =	smul.u32 $0xF7A, s1;
	s8 =	simm.s32 @!p0 $0x1BF5;
	p2 =	por !p2, p0  }
0x20: {  	[sflag:s8] =	ssyncset.s32 @!p0 $0xFFFFF086;
	s6 =	sadd.s32 @!p0 s3, s7;
	s7 =	simm.s32 @!p0 $0x108  }
0x21: {  	s3 =	sadd.s32 s3, s9;
	s6 =	sadd.s32 @!p0 $0x88, s6;
	s7 =	simm.s32 @p2 $0x1082  }
0x22: {  	[simem:s7], [sflag:s8] =	dma.local @!p0 [hbm:s6], $0xF7A  }
0x23: {  	s9 =	sor.u32 $0xD0000000, s2;
	s6 =	simm.s32 $0x108;
	_ =	swait.ge @!p0 [sflag:s8], $0x0  }
0x24: {  	s3 =	sadd.s32 $0x88, s3;
	s6 =	simm.s32 @!p1 $0x1082;
	[sflag:s4] =	ssyncset.s32 $0xFFFFF086  }
0x25: {  	[simem:s6], [sflag:s4] =	dma.local [hbm:s3], $0xF7A  }
0x26: {  	[smem:$0x3F9D] =	sst s1;
	(tag) =	ssettag s2;
	_ =	strace s9  }
0x27: {  	s1 =	sld [smem:$0x3FAD]  }
0x28: {  	s2 =	sld [smem:$0x3FAE]  }
0x29: {  	s4 =	sld [smem:$0x3FB0]  }
0x2a: {  	p0 =	seq.s32 s5, $0x0;
	s5 =	sld [smem:$0x3FB1]  }
0x2b: {  	s6 =	sld [smem:$0x3FB2]  }
0x2c: {  	s7 =	sld [smem:$0x3FB3]  }
0x2d: {  	s3 =	simm.s32 $0x108;
	s8 =	sld [smem:$0x3FB4]  }
0x2e: {  	s3 =	simm.s32 @!p0 $0x1082;
	s9 =	sld [smem:$0x3FB5]  }
0x2f: {  	lr =	sadd.s32 s0, s3;
	s0 =	sld [smem:$0x3FAC]  }
0x30: {  	s3 =	sld [smem:$0x3FAF]  }
0x31: {  	[smem:$0x3FB8] =	sst s10  }
0x32: {  	s10 =	sld [smem:$0x3FB6];
	_ =	sdelay $0x3  }
0x33: {  	p0 =	seq.s32 s10, $0x1;
	s10 =	sld [smem:$0x3FB8];
	_ =	sdelay $0x3  }
0x34: {  	[smem:$0x3FB8] =	sst s10  }
0x35: {  	s10 =	sld [smem:$0x3FB7];
	_ =	sdelay $0x3  }
0x36: {  	p1 =	seq.s32 s10, $0x1;
	s10 =	sld [smem:$0x3FB8];
	_ =	sdelay $0x3  }
0x37: {  	[smem:$0x3FB8] =	sst s10  }
0x38: {  	s10 =	sld [smem:$0x3FB9]  }
0x39: {  	_ = 	snop;
	(pc) =	sbr.ind lr, $3  }
0x3a: {  	_ = 	snop  }
0x3b: {  	_ = 	snop  }
0x3c: {  	p2 =	seq.s32 s10, $0x1;
	s10 =	sld [smem:$0x3FB8]  }
0x3d: {  	_ =	shalt  }
0x3e: {  	_ =	shalt  }
0x3f: {  	_ =	shalt  }
0x40: {  	_ =	shalt  }
0x41: {  	_ =	shalt  }
0x42: {  	_ =	shalt  }
0x43: {  	_ =	shalt  }
0x44: {  	_ =	shalt  }
0x45: {  	_ =	shalt  }
0x46: {  	_ =	shalt  }
0x47: {  	_ =	shalt  }
0x48: {  	_ =	shalt  }
0x49: {  	_ =	shalt  }
0x4a: {  	_ =	shalt  }
0x4b: {  	_ =	shalt  }
0x4c: {  	_ =	shalt  }
0x4d: {  	_ =	shalt  }
0x4e: {  	_ =	shalt  }
0x4f: {  	_ =	shalt  }
0x50: {  	_ =	shalt  }
0x51: {  	_ =	shalt  }
0x52: {  	_ =	shalt  }
0x53: {  	_ =	shalt  }
0x54: {  	_ =	shalt  }
0x55: {  	_ =	shalt  }
0x56: {  	_ =	shalt  }
0x57: {  	_ =	shalt  }
0x58: {  	_ =	shalt  }
0x59: {  	_ =	shalt  }
0x5a: {  	_ =	shalt  }
0x5b: {  	_ =	shalt  }
0x5c: {  	_ =	shalt  }
0x5d: {  	_ =	shalt  }
0x5e: {  	_ =	shalt  }
0x5f: {  	_ =	shalt  }
0x60: {  	_ =	shalt  }
0x61: {  	_ =	shalt  }
0x62: {  	_ =	shalt  }
0x63: {  	_ =	shalt  }
0x64: {  	_ =	shalt  }
0x65: {  	_ =	shalt  }
0x66: {  	_ =	shalt  }
0x67: {  	_ =	shalt  }
0x68: {  	_ =	shalt  }
0x69: {  	_ =	shalt  }
0x6a: {  	_ =	shalt  }
0x6b: {  	_ =	shalt  }
0x6c: {  	_ =	shalt  }
0x6d: {  	_ =	shalt  }
0x6e: {  	_ =	shalt  }
0x6f: {  	_ =	shalt  }
0x70: {  	_ =	shalt  }
0x71: {  	_ =	shalt  }
0x72: {  	_ =	shalt  }
0x73: {  	_ =	shalt  }
0x74: {  	_ =	shalt  }
0x75: {  	_ =	shalt  }
0x76: {  	_ =	shalt  }
0x77: {  	_ =	shalt  }
0x78: {  	_ =	shalt  }
0x79: {  	_ =	shalt  }
0x7a: {  	_ =	shalt  }
0x7b: {  	_ =	shalt  }
0x7c: {  	_ =	shalt  }
0x7d: {  	_ =	shalt  }
0x7e: {  	_ =	shalt  }
0x7f: {  	_ =	shalt  }
0x80: {  	_ =	shalt  }
0x81: {  	_ =	shalt  }
0x82: {  	_ =	shalt  }
0x83: {  	_ =	shalt  }
0x84: {  	_ =	shalt  }
0x85: {  	_ =	shalt  }
0x86: {  	_ =	shalt  }
0x87: {  	_ =	shalt  }
.Lfunc_end0:
.L_simem_size_0:
called_computation_lowered:
.L_overlay_start_0:
0x88: {  	s2 =	sld [smem:$0x3FD9]  }
0x89: {  	s3 =	sld [smem:$0x3FFE];
	_ =	sdelay $0x1  }
0x8a: {  	s1 =	srdreg.scid  }
0x8b: {  	s0 =	sand.u32 $0x1, s1  }
0x8c: {  	s17 =	sshll.u32 s0, $0xA;
	s2 =	sadd.s32 s3, s2  }
0x8d: {  	s2 =	sadd.s32 s2, s17  }
0x8e: {  	[smem:$0x3FC4] =	sst s2  }
0x8f: {  	_ = 	snop  }
0x90: {  	s2 =	sld [smem:$0x3FC9]  }
0x91: {  	s18 =	sld [smem:$0x3FD0];
	(tm) =	ssettm $0x1  }
0x92: {  	s4 =	sld [smem:$0x3FFB];
	_ =	sdelay $0x3  }
0x93: {  	_ =	strace s4  }
0x94: {  	s4 =	sld [smem:$0x3FFC];
	_ =	sdelay $0x3  }
0x95: {  	_ =	strace s4  }
0x96: {  	s4 =	sld [smem:$0x3FFD];
	_ =	sdelay $0x3  }
0x97: {  	_ =	strace s4  }
0x98: {  	_ =	strace $0x8FFFFFFF  }
0x99: {  	s19 =	sld [smem:$0x3FDB];
	_ =	sdelay $0x1  }
0x9a: {  	s5 =	simm.s32 $_scs_section_size  }
0x9b: {  	s6 =	simm.s32 $_size__tile_overlayer_lowered;
	s7 =	simm.s32 $_tile_overlayer_lowered  }
0x9c: {  	s22 =	simm.s32 $0x1BFF;
	s21 =	sshll.u32 s7, $0x1;
	s4 =	sadd.s32 s5, s19  }
0x9d: {  	s8 =	simm.s32 $0x0;
	s20 =	sshll.u32 s6, $0x1;
	s6 =	sadd.s32 s21, s4  }
0x9e: {  	[timem:s8], [sflag:s22] =	dma.local [hbm:s6], s20  }
0x9f: {  	_ =	swait.ge [sflag:s22], s20  }
0xa0: {  	s5 =	ssub.s32 $0x0, s20;
	[sflag:s22] =	ssyncset.done $0x0  }
0xa1: {  	[sflag:s22] =	ssyncadd.s32 s5;
	_ =	sdelay $0x1  }
0xa2: {  	s23 =	simm.s32 $0x1B8B  }
0xa3: {  	_ =	swait.ge [sflag:s23], $0x1  }
0xa4: {  	[sflag:s23] =	ssyncset.done $0x0  }
0xa5: {  	s25 =	simm.s32 $0x1B8E;
	s24 =	sld [smem:$0x3FFE];
	[sflag:s23] =	ssyncadd.s32 $0xFFFFFFFF  }
0xa6: {  	s26 =	simm.s32 $execute0_lowered;
	[smem:$0x3FD2] =	sst s25  }
0xa7: {  	s6 =	sshll.u32 s26, $0x1;
	_ =	strace $0x80000046;
	[dreg:$0x1] =	wrdreg $0xFFFFFFFF  }
0xa8: {  	s28 =	simm.s32 $_size_execute0_lowered;
	s4 =	sadd.s32 s4, s6;
	[dreg:$0x0] =	wrdreg $0x0  }
0xa9: {  	s6 =	sshll.u32 s28, $0x1;
	[dreg:$0x2] =	wrdreg s4  }
0xaa: {  	[dreg:$0x3] =	wrdreg s6  }
0xab: {  	[dreg:$0x4] =	wrdreg $0xC0  }
0xac: {  	_ =	task [dreg:s8], $0x5FFFF  }
0xad: {  	[dreg:$0x1] =	wrdreg $0xFFFFFFFF  }
0xae: {  	[dreg:$0x0] =	wrdreg $0x60  }
0xaf: {  	[dreg:$0x2] =	wrdreg s2  }
0xb0: {  	[dreg:$0x3] =	wrdreg s24  }
0xb1: {  	[dreg:$0x4] =	wrdreg s18  }
0xb2: {  	[dreg:$0x5] =	wrdreg $0x9  }
0xb3: {  	_ =	task.clear_ibuf [dreg:s8], $0x6FFFF;
	_ =	strace $0x90000046  }
0xb4: {  	s29 =	simm.s32 $0x9;
	_ =	strace $0x80000048  }
0xb5: {  	_ =	swait.ge [sflag:s29], $0x1  }
0xb6: {  	[sflag:s29] =	ssyncadd.s32 $0xFFFFFFFF  }
0xb7: {  	_ =	strace $0x90000048  }
0xb8: {  	_ =	sfence  }
0xb9: {  	s30 =	sld [smem:$0x0];
	_ =	sdelay $0x2  }
0xba: {  	s31 =	sshll.u32 s1, $0xD;
	s1 =	sshrl.u32 s1, $0x2  }
0xbb: {  	s3 =	sand.u32 $0x4000, s31;
	s1 =	sadd.s32 s1, s30  }
0xbc: {  	s0 =	sor.u32 s3, s0;
	s1 =	sshll.u32 s1, $0x11  }
0xbd: {  	s0 =	sor.u32 s1, s0  }
0xbe: {  	s0 =	sadd.s32 $0x8F2B, s0  }
0xbf: {  	[sflag:s0] =	ssyncadd.remote.s32 $0x1  }
0xc0: {  	_ =	sfence.sel $0xFFFF  }
0xc1: {  	[dreg:$0x0] =	wrdreg $0xFFFFFFFF;
	(pc) =	sbr.abs _section_cstart, $3  }
0xc2: {  	[dreg:$0x1] =	wrdreg $0xFFFFFFFF  }
0xc3: {  	_ =	task.clear_ibuf [dreg:s8], $0x2FFFF;
	_ =	strace $0x9FFFFFFF  }
0xc4: {  	(tm) =	ssettm $0x7FFFFFFF  }
0xc5: {  	_ =	shalt  }
tec
execute0_lowered:
.L_overlay_start_1:
0x0: {  	(tag) =	ssettag $0x1  }
0x1: {  	s1 =	rddreg [dreg:$0x0]  }
0x2: {  	s5 =	rddreg [dreg:$0x1]  }
0x3: {  	s6 =	rddreg [dreg:$0x2];
	s3 =	srdreg.scid  }
0x4: {  	s0 =	rddreg [dreg:$0x3];
	s2 =	stileid.u32  }
0x5: {  	s10 =	simm.s32 $0x8100;
	s11 =	simm.s32 $0xB180;
	s12 =	simm.s32 $0x0  }
0x6: {  	s4 =	sand.u32 $0x1, s3;
	s3 =	simm.s32 $0x0;
	s8 =	sshll.u32 s2, $0x2  }
0x7: {  	s7 =	sshll.u32 s4, $0x6;
	[smem:$0x7FF] =	sst s3;
	s30 =	ssub.s32 $0x2, s4  }
0x8: {  	s4 =	sadd.s32 $0xA00, s5;
	s7 =	sor.u32 s8, s7;
	_ =	strace $0x80000047  }
0x9: {  	s31 =	sshrl.u32 s30, $0x1;
	s9 =	smul.u32 $0x180, s7;
	s5 =	sadd.s32 s7, s5  }
0xa: {  	s8 =	simm.s32 $0x8000;
	s7 =	ssub.s32 s30, s31;
	s5 =	sadd.s32 $0x800, s5  }
0xb: {  	v50 =	vimm.f32 $0.0e+00;
	v53 =	vimm.f32 $-3.000000010e+38;
	s7 =	smax.u32 s7, $0x1;
	s6 =	sadd.s32 s6, s9;
	s9 =	simm.s32 $0x1  }
.LBB2_1:
0xc: {  	[tilespmem:s8], [sflag:$0x1] =	stream.linear.gather [hbm4b:s4+s3], $0x100, $0x38;
	[tilespmem:$0xE180] =	vst v63  }
0xd: {  	_ =	swait.ge [sflag:s9], $0x100  }
0xe: {  	[sflag:s9] =	ssyncset.done $0x0  }
0xf: {  	[sflag:s9] =	ssyncadd.s32 $0xFFFFFF00  }
0x10: {  	[tilespmem:s10], [sflag:$0x1] =	stream.linear.gather [hbm4b:s5+s3], $0x30, $0x38;
	[tilespmem:$0xE180] =	vst v63  }
0x11: {  	_ =	swait.ge [sflag:s9], $0x30  }
0x12: {  	[sflag:s9] =	ssyncset.done $0x0  }
0x13: {  	[sflag:s9] =	ssyncadd.s32 $0xFFFFFFD0  }
0x14: {  	v0 =	vld [tilespmem:$0x8100];
	_ =	sdelay $0x4  }
0x15: {  	(v2sf) =	vpush v0, $0x0  }
0x16: {  	(v2sf) =	vpush v0, $0x1  }
0x17: {  	(v2sf) =	vpush v0, $0x2  }
0x18: {  	(v2sf) =	vpush v0, $0x3  }
0x19: {  	(v2sf) =	vpush v0, $0x4  }
0x1a: {  	(v2sf) =	vpush v0, $0x5  }
0x1b: {  	(v2sf) =	vpush v0, $0x6  }
0x1c: {  	(v2sf) =	vpush v0, $0x7  }
0x1d: {  	(v2sf) =	vpush v0, $0x8  }
0x1e: {  	(v2sf) =	vpush v0, $0x9  }
0x1f: {  	(v2sf) =	vpush v0, $0xA  }
0x20: {  	v1 =	vld [tilespmem:$0x8110];
	(v2sf) =	vpush v0, $0xB  }
0x21: {  	(v2sf) =	vpush v0, $0xC  }
0x22: {  	(v2sf) =	vpush v0, $0xD  }
0x23: {  	(v2sf) =	vpush v0, $0xE  }
0x24: {  	s13 =	spop (v2sf);
	(v2sf) =	vpush v0, $0xF  }
0x25: {  	[smem:$0x0] =	sst s13;
	s14 =	spop (v2sf);
	(v2sf) =	vpush v1, $0x0  }
0x26: {  	[smem:$0x1] =	sst s14;
	s18 =	spop (v2sf);
	(v2sf) =	vpush v1, $0x1  }
0x27: {  	[smem:$0x2] =	sst s18;
	s19 =	spop (v2sf);
	(v2sf) =	vpush v1, $0x2  }
0x28: {  	[smem:$0x3] =	sst s19;
	s20 =	spop (v2sf);
	(v2sf) =	vpush v1, $0x3  }
0x29: {  	[smem:$0x4] =	sst s20;
	s21 =	spop (v2sf);
	(v2sf) =	vpush v1, $0x4  }
0x2a: {  	[smem:$0x5] =	sst s21;
	s22 =	spop (v2sf);
	(v2sf) =	vpush v1, $0x5  }
0x2b: {  	[smem:$0x6] =	sst s22;
	s23 =	spop (v2sf);
	(v2sf) =	vpush v1, $0x6  }
0x2c: {  	[smem:$0x7] =	sst s23;
	s24 =	spop (v2sf);
	(v2sf) =	vpush v1, $0x7  }
0x2d: {  	[smem:$0x8] =	sst s24;
	s25 =	spop (v2sf);
	(v2sf) =	vpush v1, $0x8  }
0x2e: {  	[smem:$0x9] =	sst s25;
	s26 =	spop (v2sf);
	(v2sf) =	vpush v1, $0x9  }
0x2f: {  	[smem:$0xA] =	sst s26;
	s28 =	spop (v2sf);
	(v2sf) =	vpush v1, $0xA  }
0x30: {  	v0 =	vld [tilespmem:$0x8120];
	[smem:$0xB] =	sst s28;
	s29 =	spop (v2sf);
	(v2sf) =	vpush v1, $0xB  }
0x31: {  	[smem:$0xC] =	sst s29;
	s30 =	spop (v2sf);
	(v2sf) =	vpush v1, $0xC  }
0x32: {  	[smem:$0xD] =	sst s30;
	s31 =	spop (v2sf);
	(v2sf) =	vpush v1, $0xD  }
0x33: {  	[smem:$0xE] =	sst s31;
	s15 =	spop (v2sf);
	(v2sf) =	vpush v1, $0xE  }
0x34: {  	[smem:$0xF] =	sst s15;
	s16 =	spop (v2sf);
	(v2sf) =	vpush v1, $0xF  }
0x35: {  	[smem:$0x10] =	sst s16;
	s17 =	spop (v2sf);
	(v2sf) =	vpush v0, $0x0  }
0x36: {  	s15 =	spop (v2sf);
	[smem:$0x11] =	sst s17  }
0x37: {  	s18 =	spop (v2sf);
	[smem:$0x12] =	sst s15  }
0x38: {  	s19 =	spop (v2sf);
	[smem:$0x13] =	sst s18  }
0x39: {  	s20 =	spop (v2sf);
	[smem:$0x14] =	sst s19  }
0x3a: {  	s21 =	spop (v2sf);
	[smem:$0x15] =	sst s20  }
0x3b: {  	s22 =	spop (v2sf);
	[smem:$0x16] =	sst s21  }
0x3c: {  	s23 =	spop (v2sf);
	[smem:$0x17] =	sst s22  }
0x3d: {  	v29 =	vld [tilespmem:$0x8000];
	s24 =	spop (v2sf);
	[smem:$0x18] =	sst s23  }
0x3e: {  	v9 =	vld [tilespmem:$0x8010];
	s25 =	spop (v2sf);
	[smem:$0x19] =	sst s24  }
0x3f: {  	v10 =	vld [tilespmem:$0x8020];
	s26 =	spop (v2sf);
	[smem:$0x1A] =	sst s25  }
0x40: {  	v35 =	vld [tilespmem:$0x8030];
	s28 =	spop (v2sf);
	[smem:$0x1B] =	sst s26  }
0x41: {  	v48 =	vld [tilespmem:$0x8040];
	s29 =	spop (v2sf);
	[smem:$0x1C] =	sst s28  }
0x42: {  	v3 =	vld [tilespmem:$0x8050];
	s30 =	spop (v2sf);
	[smem:$0x1D] =	sst s29  }
0x43: {  	v2 =	vld [tilespmem:$0x8060];
	s31 =	spop (v2sf);
	[smem:$0x1E] =	sst s30  }
0x44: {  	v5 =	vld [tilespmem:$0x8070];
	[smem:$0x1F] =	sst s31;
	s14 =	spop (v2sf)  }
0x45: {  	v8 =	vld [tilespmem:$0x8080];
	s16 =	simm.s32 $0x40;
	s15 =	simm.s32 $0x0;
	[smem:$0x20] =	sst s14  }
.LBB2_2:
0x46: {  	p0 =	sne.s32 s16, $0x3FC0;
	[tilespmem:s15+$0x9180] =	vst v53;
	s17 =	smov.u32 s16;
	s16 =	sadd.s32 $0x40, s16  }
.Ltmp0:
0x47: {  	[tilespmem:s15+$0x8180] =	vst v50;
	(pc) =	sbr.rel @p0 .LBB2_2-.Ltmp0, $2  }
0x48: {  	[tilespmem:s15+$0xA180] =	vst v50;
	_ =	sdelay $0x2  }
0x49: {  	s15 =	sshra.s32 s17, $0x2  }
0x4a: {  	s16 =	sand.u32 $0xF, s13  }
0x4b: {  	s17 =	sshra.s32 s13, $0x1F;
	p0 =	slt.s32 s13, $0x1;
	p1 =	sne.s32 s16, $0x0  }
0x4c: {  	s26 =	sshrl.u32 s17, $0x1C;
	p0 =	por !p0, !p1  }
0x4d: {  	s16 =	simm.s32 $0x1;
	s28 =	sadd.s32 s26, s13;
	p0 =	por !p0, !p0  }
0x4e: {  	s13 =	sshrl.u32 s28, $0x4;
	s16 =	simm.s32 @!p0 $0x0  }
0x4f: {  	s13 =	ssub.s32 s13, s16  }
0x50: {  	s13 =	sshll.u32 s13, $0x4  }
0x51: {  	s14 =	ssub.s32 s14, s13  }
0x52: {  	s14 =	sadd.s32 $0xFF, s14  }
0x53: {  	[tilespmem:s15+$0x9180] =	vst v53;
	s29 =	sand.u32 $0xFF, s14  }
0x54: {  	[tilespmem:s15+$0x8180] =	vst v50;
	s30 =	sshra.s32 s14, $0x1F;
	p5 =	slt.s32 s14, $0x1;
	p6 =	sne.s32 s29, $0x0  }
0x55: {  	[tilespmem:s15+$0xA180] =	vst v50;
	s31 =	sshrl.u32 s30, $0x18;
	p0 =	por !p5, !p6  }
0x56: {  	[tilespmem:$0x1FF70] =	vst v29;
	s16 =	simm.s32 $0x1;
	s14 =	sadd.s32 s31, s14;
	p0 =	por !p0, !p0  }
0x57: {  	[tilespmem:$0x1FF80] =	vst v35;
	s14 =	sshra.s32 s14, $0x8;
	s16 =	simm.s32 @!p0 $0x0  }
0x58: {  	[tilespmem:$0x1FF90] =	vst v48;
	s14 =	ssub.s32 s14, s16  }
0x59: {  	[tilespmem:$0x1FFA0] =	vst v3;
	p0 =	slt.s32 s14, $0x1  }
.Ltmp1:
0x5a: {  	[tilespmem:$0x1FFB0] =	vst v2;
	(pc) =	sbr.rel @!p0 .LBB2_4-.Ltmp1, $4  }
0x5b: {  	[tilespmem:$0x1FFC0] =	vst v5  }
0x5c: {  	[tilespmem:$0x1FFD0] =	vst v8  }
0x5d: {  	[tilespmem:$0x1FFE0] =	vst v10  }
0x5e: {  	s15 =	simm.s32 $0x0;
	[tilespmem:$0x1FFF0] =	vst v9;
	s17 =	simm.s32 $0x0;
	s16 =	smov.u32 s13  }
.LBB2_19:
0x5f: {  	s13 =	sld [smem:$0x1]  }
0x60: {  	s14 =	sld [smem:$0x0];
	_ =	sdelay $0x2  }
0x61: {  	s14 =	ssub.s32 s13, s14  }
0x62: {  	v0 =	vmov s14  }
0x63: {  	v0 =	vcvt.s32.f32 v0;
	_ =	sdelay $0x1  }
0x64: {  	v0 =	vmax.f32 v0, $1.000000000e+00  }
0x65: {  	v0 =	vbroadcast v0, $0x0;
	_ =	sdelay $0x1  }
0x66: {  	(erf) = vrcp.f32 v0;
	_ =	sdelay $0x3  }
0x67: {  	s16 =	simm.s32 $0x81C0  }
0x68: {  	v0 =	vld [tilespmem:s16+$0xFFFFFFC0];
	_ =	sdelay $0x1  }
0x69: {  	s31 =	simm.s32 $0x0  }
0x6a: {  	s13 =	smul.u32 $0x3000, s31  }
0x6b: {  	s15 =	simm.s32 $0x0;
	v1 =	vpop (erf)  }
0x6c: {  	s17 =	sand.u32 $0x380, s15;
	s13 =	sshra.s32 s13, $0x2;
	v0 =	vmul.f32 v1, v0  }
0x6d: {  	s17 =	sor.u32 s17, s13  }
0x6e: {  	s13 =	simm.s32 $0x91C0;
	[tilespmem:s17+$0xB180] =	vst v0  }
0x6f: {  	v0 =	vld [tilespmem:s13+$0xFFFFFFC0];
	_ =	sdelay $0x3  }
0x70: {  	p0 =	sgt.s32 s14, $0x0  }
0x71: {  	v0 =	vpsel !p0, $0x0, v0  }
0x72: {  	s14 =	simm.s32 $0xA1C0;
	[tilespmem:s17+$0xB580] =	vst v0  }
0x73: {  	v0 =	vld [tilespmem:s14+$0xFFFFFFC0];
	_ =	sdelay $0x4  }
0x74: {  	[tilespmem:s17+$0xB980] =	vst v0  }
0x75: {  	v0 =	vld [tilespmem:s16+$0xFFFFFFD0];
	_ =	sdelay $0x4  }
0x76: {  	v0 =	vmul.f32 v0, v1;
	_ =	sdelay $0x1  }
0x77: {  	[tilespmem:s17+$0xB190] =	vst v0  }
0x78: {  	v0 =	vld [tilespmem:s13+$0xFFFFFFD0];
	_ =	sdelay $0x4  }
0x79: {  	v0 =	vpsel !p0, $0x0, v0  }
0x7a: {  	[tilespmem:s17+$0xB590] =	vst v0  }
0x7b: {  	v0 =	vld [tilespmem:s14+$0xFFFFFFD0];
	_ =	sdelay $0x4  }
0x7c: {  	[tilespmem:s17+$0xB990] =	vst v0  }
0x7d: {  	v0 =	vld [tilespmem:s16+$0xFFFFFFE0];
	_ =	sdelay $0x4  }
0x7e: {  	v0 =	vmul.f32 v0, v1;
	_ =	sdelay $0x1  }
0x7f: {  	[tilespmem:s17+$0xB1A0] =	vst v0  }
0x80: {  	v0 =	vld [tilespmem:s13+$0xFFFFFFE0];
	_ =	sdelay $0x4  }
0x81: {  	v0 =	vpsel !p0, $0x0, v0  }
0x82: {  	[tilespmem:s17+$0xB5A0] =	vst v0  }
0x83: {  	v0 =	vld [tilespmem:s14+$0xFFFFFFE0];
	_ =	sdelay $0x4  }
0x84: {  	[tilespmem:s17+$0xB9A0] =	vst v0  }
0x85: {  	v0 =	vld [tilespmem:s16+$0xFFFFFFF0];
	_ =	sdelay $0x4  }
0x86: {  	v0 =	vmul.f32 v0, v1;
	_ =	sdelay $0x1  }
0x87: {  	[tilespmem:s17+$0xB1B0] =	vst v0  }
0x88: {  	v0 =	vld [tilespmem:s13+$0xFFFFFFF0];
	_ =	sdelay $0x4  }
0x89: {  	v0 =	vpsel !p0, $0x0, v0  }
0x8a: {  	[tilespmem:s17+$0xB5B0] =	vst v0  }
0x8b: {  	v0 =	vld [tilespmem:s14+$0xFFFFFFF0];
	_ =	sdelay $0x4  }
0x8c: {  	[tilespmem:s17+$0xB9B0] =	vst v0  }
0x8d: {  	v0 =	vld [tilespmem:s16+$0x0];
	_ =	sdelay $0x4  }
0x8e: {  	v0 =	vmul.f32 v0, v1;
	_ =	sdelay $0x1  }
0x8f: {  	[tilespmem:s17+$0xB1C0] =	vst v0  }
0x90: {  	v0 =	vld [tilespmem:s13+$0x0];
	_ =	sdelay $0x4  }
0x91: {  	v0 =	vpsel !p0, $0x0, v0  }
0x92: {  	[tilespmem:s17+$0xB5C0] =	vst v0  }
0x93: {  	v0 =	vld [tilespmem:s14+$0x0];
	_ =	sdelay $0x4  }
0x94: {  	[tilespmem:s17+$0xB9C0] =	vst v0  }
0x95: {  	v0 =	vld [tilespmem:s16+$0x10];
	_ =	sdelay $0x4  }
0x96: {  	v0 =	vmul.f32 v0, v1;
	_ =	sdelay $0x1  }
0x97: {  	[tilespmem:s17+$0xB1D0] =	vst v0  }
0x98: {  	v0 =	vld [tilespmem:s13+$0x10];
	_ =	sdelay $0x4  }
0x99: {  	v0 =	vpsel !p0, $0x0, v0  }
0x9a: {  	[tilespmem:s17+$0xB5D0] =	vst v0  }
0x9b: {  	v0 =	vld [tilespmem:s14+$0x10];
	_ =	sdelay $0x4  }
0x9c: {  	[tilespmem:s17+$0xB9D0] =	vst v0  }
0x9d: {  	v0 =	vld [tilespmem:s16+$0x20];
	_ =	sdelay $0x4  }
0x9e: {  	v0 =	vmul.f32 v0, v1;
	_ =	sdelay $0x1  }
0x9f: {  	[tilespmem:s17+$0xB1E0] =	vst v0  }
0xa0: {  	v0 =	vld [tilespmem:s13+$0x20];
	_ =	sdelay $0x4  }
0xa1: {  	v0 =	vpsel !p0, $0x0, v0  }
0xa2: {  	[tilespmem:s17+$0xB5E0] =	vst v0  }
0xa3: {  	v0 =	vld [tilespmem:s14+$0x20];
	_ =	sdelay $0x4  }
0xa4: {  	[tilespmem:s17+$0xB9E0] =	vst v0  }
0xa5: {  	v0 =	vld [tilespmem:s16+$0x30];
	_ =	sdelay $0x4  }
0xa6: {  	s18 =	simm.s32 $0x1;
	s21 =	sld [smem:$0x2];
	v0 =	vmul.f32 v0, v1  }
0xa7: {  	s19 =	simm.s32 $0x2;
	s20 =	simm.s32 $0x2;
	s22 =	sld [smem:$0x1]  }
.LBB2_20:
0xa8: {  	p1 =	sne.s32 s20, $0x1F;
	[tilespmem:s17+$0xB1F0] =	vst v0  }
0xa9: {  	v0 =	vld [tilespmem:s13+$0x30]  }
0xaa: {  	s21 =	ssub.s32 s21, s22  }
0xab: {  	v1 =	vmov s21  }
0xac: {  	v1 =	vcvt.s32.f32 v1;
	_ =	sdelay $0x1  }
0xad: {  	v1 =	vmax.f32 v1, $1.000000000e+00;
	v0 =	vpsel !p0, $0x0, v0  }
0xae: {  	v1 =	vbroadcast v1, $0x0;
	[tilespmem:s17+$0xB5F0] =	vst v0  }
0xaf: {  	v0 =	vld [tilespmem:s14+$0x30]  }
0xb0: {  	(erf) = vrcp.f32 v1;
	_ =	sdelay $0x3  }
0xb1: {  	s16 =	sadd.s32 $0x80, s16;
	[tilespmem:s17+$0xB9F0] =	vst v0  }
0xb2: {  	v1 =	vld [tilespmem:s16+$0xFFFFFFC0];
	_ =	sdelay $0x1  }
0xb3: {  	s17 =	sshrl.u32 s18, $0x3;
	s18 =	smov.u32 s20  }
0xb4: {  	s17 =	smul.u32 $0x3000, s17  }
0xb5: {  	s15 =	sadd.s32 $0x80, s15;
	v0 =	vpop (erf)  }
0xb6: {  	s22 =	sand.u32 $0x380, s15;
	s17 =	sshra.s32 s17, $0x2;
	v1 =	vmul.f32 v0, v1  }
0xb7: {  	s17 =	sor.u32 s22, s17  }
0xb8: {  	s13 =	sadd.s32 $0x80, s13;
	[tilespmem:s17+$0xB180] =	vst v1  }
0xb9: {  	v1 =	vld [tilespmem:s13+$0xFFFFFFC0];
	_ =	sdelay $0x3  }
0xba: {  	p0 =	sgt.s32 s21, $0x0  }
0xbb: {  	v1 =	vpsel !p0, $0x0, v1  }
0xbc: {  	s14 =	sadd.s32 $0x80, s14;
	[tilespmem:s17+$0xB580] =	vst v1  }
0xbd: {  	v1 =	vld [tilespmem:s14+$0xFFFFFFC0];
	_ =	sdelay $0x4  }
0xbe: {  	[tilespmem:s17+$0xB980] =	vst v1  }
0xbf: {  	v1 =	vld [tilespmem:s16+$0xFFFFFFD0];
	_ =	sdelay $0x4  }
0xc0: {  	v1 =	vmul.f32 v1, v0;
	_ =	sdelay $0x1  }
0xc1: {  	[tilespmem:s17+$0xB190] =	vst v1  }
0xc2: {  	v1 =	vld [tilespmem:s13+$0xFFFFFFD0];
	_ =	sdelay $0x4  }
0xc3: {  	v1 =	vpsel !p0, $0x0, v1  }
0xc4: {  	[tilespmem:s17+$0xB590] =	vst v1  }
0xc5: {  	v1 =	vld [tilespmem:s14+$0xFFFFFFD0];
	_ =	sdelay $0x4  }
0xc6: {  	[tilespmem:s17+$0xB990] =	vst v1  }
0xc7: {  	v1 =	vld [tilespmem:s16+$0xFFFFFFE0];
	_ =	sdelay $0x4  }
0xc8: {  	v1 =	vmul.f32 v1, v0;
	_ =	sdelay $0x1  }
0xc9: {  	[tilespmem:s17+$0xB1A0] =	vst v1  }
0xca: {  	v1 =	vld [tilespmem:s13+$0xFFFFFFE0];
	_ =	sdelay $0x4  }
0xcb: {  	v1 =	vpsel !p0, $0x0, v1  }
0xcc: {  	[tilespmem:s17+$0xB5A0] =	vst v1  }
0xcd: {  	v1 =	vld [tilespmem:s14+$0xFFFFFFE0];
	_ =	sdelay $0x4  }
0xce: {  	[tilespmem:s17+$0xB9A0] =	vst v1  }
0xcf: {  	v1 =	vld [tilespmem:s16+$0xFFFFFFF0];
	_ =	sdelay $0x4  }
0xd0: {  	v1 =	vmul.f32 v1, v0;
	_ =	sdelay $0x1  }
0xd1: {  	[tilespmem:s17+$0xB1B0] =	vst v1  }
0xd2: {  	v1 =	vld [tilespmem:s13+$0xFFFFFFF0];
	_ =	sdelay $0x4  }
0xd3: {  	v1 =	vpsel !p0, $0x0, v1  }
0xd4: {  	[tilespmem:s17+$0xB5B0] =	vst v1  }
0xd5: {  	v1 =	vld [tilespmem:s14+$0xFFFFFFF0];
	_ =	sdelay $0x4  }
0xd6: {  	[tilespmem:s17+$0xB9B0] =	vst v1  }
0xd7: {  	v1 =	vld [tilespmem:s16+$0x0];
	_ =	sdelay $0x4  }
0xd8: {  	v1 =	vmul.f32 v1, v0;
	_ =	sdelay $0x1  }
0xd9: {  	[tilespmem:s17+$0xB1C0] =	vst v1  }
0xda: {  	v1 =	vld [tilespmem:s13+$0x0];
	_ =	sdelay $0x4  }
0xdb: {  	v1 =	vpsel !p0, $0x0, v1  }
0xdc: {  	[tilespmem:s17+$0xB5C0] =	vst v1  }
0xdd: {  	v1 =	vld [tilespmem:s14+$0x0];
	_ =	sdelay $0x4  }
0xde: {  	[tilespmem:s17+$0xB9C0] =	vst v1  }
0xdf: {  	v1 =	vld [tilespmem:s16+$0x10];
	_ =	sdelay $0x4  }
0xe0: {  	v1 =	vmul.f32 v1, v0;
	_ =	sdelay $0x1  }
0xe1: {  	[tilespmem:s17+$0xB1D0] =	vst v1  }
0xe2: {  	v1 =	vld [tilespmem:s13+$0x10];
	_ =	sdelay $0x4  }
0xe3: {  	v1 =	vpsel !p0, $0x0, v1  }
0xe4: {  	[tilespmem:s17+$0xB5D0] =	vst v1  }
0xe5: {  	v1 =	vld [tilespmem:s14+$0x10];
	_ =	sdelay $0x4  }
0xe6: {  	[tilespmem:s17+$0xB9D0] =	vst v1  }
0xe7: {  	v1 =	vld [tilespmem:s16+$0x20];
	_ =	sdelay $0x4  }
0xe8: {  	v1 =	vmul.f32 v1, v0;
	_ =	sdelay $0x1  }
0xe9: {  	[tilespmem:s17+$0xB1E0] =	vst v1  }
0xea: {  	v1 =	vld [tilespmem:s13+$0x20];
	_ =	sdelay $0x4  }
0xeb: {  	v1 =	vpsel !p0, $0x0, v1  }
0xec: {  	[tilespmem:s17+$0xB5E0] =	vst v1  }
0xed: {  	v1 =	vld [tilespmem:s14+$0x20];
	_ =	sdelay $0x4  }
0xee: {  	[tilespmem:s17+$0xB9E0] =	vst v1  }
0xef: {  	v1 =	vld [tilespmem:s16+$0x30];
	_ =	sdelay $0x1  }
.Ltmp2:
0xf0: {  	(pc) =	sbr.rel @p1 .LBB2_20-.Ltmp2, $4  }
0xf1: {  	_ = 	snop  }
0xf2: {  	s19 =	sadd.s32 $0x1, s19  }
0xf3: {  	s21 =	sld [smem:s19+$0x0];
	v0 =	vmul.f32 v1, v0  }
0xf4: {  	s20 =	sadd.s32 $0x1, s20;
	s22 =	sld [smem:s19+$0xFFFFFFFF]  }
0xf5: {  	[tilespmem:s17+$0xB1F0] =	vst v0  }
0xf6: {  	v0 =	vld [tilespmem:s13+$0x30]  }
0xf7: {  	s19 =	ssub.s32 s21, s22  }
0xf8: {  	v1 =	vmov s19  }
0xf9: {  	v1 =	vcvt.s32.f32 v1;
	_ =	sdelay $0x1  }
0xfa: {  	v1 =	vmax.f32 v1, $1.000000000e+00;
	v0 =	vpsel !p0, $0x0, v0  }
0xfb: {  	v1 =	vbroadcast v1, $0x0;
	[tilespmem:s17+$0xB5F0] =	vst v0  }
0xfc: {  	v0 =	vld [tilespmem:s14+$0x30]  }
0xfd: {  	(erf) = vrcp.f32 v1;
	_ =	sdelay $0x3  }
0xfe: {  	s16 =	sadd.s32 $0x80, s16;
	[tilespmem:s17+$0xB9F0] =	vst v0  }
0xff: {  	v0 =	vld [tilespmem:s16+$0xFFFFFFC0];
	_ =	sdelay $0x1  }
0x100: {  	s29 =	sshrl.u32 s18, $0x3  }
0x101: {  	s17 =	smul.u32 $0x3000, s29  }
0x102: {  	s15 =	sadd.s32 $0x80, s15;
	v1 =	vpop (erf)  }
0x103: {  	s15 =	sand.u32 $0x380, s15;
	s17 =	sshra.s32 s17, $0x2;
	v0 =	vmul.f32 v1, v0  }
0x104: {  	s15 =	sor.u32 s15, s17  }
0x105: {  	s30 =	sadd.s32 $0x80, s13;
	[tilespmem:s15+$0xB180] =	vst v0  }
0x106: {  	v0 =	vld [tilespmem:s30+$0xFFFFFFC0];
	_ =	sdelay $0x3  }
0x107: {  	p6 =	sgt.s32 s19, $0x0  }
0x108: {  	v0 =	vpsel !p6, $0x0, v0  }
0x109: {  	s31 =	sadd.s32 $0x80, s14;
	[tilespmem:s15+$0xB580] =	vst v0  }
0x10a: {  	v0 =	vld [tilespmem:s31+$0xFFFFFFC0];
	_ =	sdelay $0x4  }
0x10b: {  	[tilespmem:s15+$0xB980] =	vst v0  }
0x10c: {  	v0 =	vld [tilespmem:s16+$0xFFFFFFD0];
	_ =	sdelay $0x4  }
0x10d: {  	v0 =	vmul.f32 v0, v1;
	_ =	sdelay $0x1  }
0x10e: {  	[tilespmem:s15+$0xB190] =	vst v0  }
0x10f: {  	v0 =	vld [tilespmem:s30+$0xFFFFFFD0];
	_ =	sdelay $0x4  }
0x110: {  	v0 =	vpsel !p6, $0x0, v0  }
0x111: {  	[tilespmem:s15+$0xB590] =	vst v0  }
0x112: {  	v0 =	vld [tilespmem:s31+$0xFFFFFFD0];
	_ =	sdelay $0x4  }
0x113: {  	[tilespmem:s15+$0xB990] =	vst v0  }
0x114: {  	v0 =	vld [tilespmem:s16+$0xFFFFFFE0];
	_ =	sdelay $0x4  }
0x115: {  	v0 =	vmul.f32 v0, v1;
	_ =	sdelay $0x1  }
0x116: {  	[tilespmem:s15+$0xB1A0] =	vst v0  }
0x117: {  	v0 =	vld [tilespmem:s30+$0xFFFFFFE0];
	_ =	sdelay $0x4  }
0x118: {  	v0 =	vpsel !p6, $0x0, v0  }
0x119: {  	[tilespmem:s15+$0xB5A0] =	vst v0  }
0x11a: {  	v0 =	vld [tilespmem:s31+$0xFFFFFFE0];
	_ =	sdelay $0x4  }
0x11b: {  	[tilespmem:s15+$0xB9A0] =	vst v0  }
0x11c: {  	v0 =	vld [tilespmem:s16+$0xFFFFFFF0];
	_ =	sdelay $0x4  }
0x11d: {  	v0 =	vmul.f32 v0, v1;
	_ =	sdelay $0x1  }
0x11e: {  	[tilespmem:s15+$0xB1B0] =	vst v0  }
0x11f: {  	v0 =	vld [tilespmem:s30+$0xFFFFFFF0];
	_ =	sdelay $0x4  }
0x120: {  	v0 =	vpsel !p6, $0x0, v0  }
0x121: {  	[tilespmem:s15+$0xB5B0] =	vst v0  }
0x122: {  	v0 =	vld [tilespmem:s31+$0xFFFFFFF0];
	_ =	sdelay $0x4  }
0x123: {  	[tilespmem:s15+$0xB9B0] =	vst v0  }
0x124: {  	v0 =	vld [tilespmem:s16+$0x0];
	_ =	sdelay $0x4  }
0x125: {  	v0 =	vmul.f32 v0, v1;
	_ =	sdelay $0x1  }
0x126: {  	[tilespmem:s15+$0xB1C0] =	vst v0  }
0x127: {  	v0 =	vld [tilespmem:s30+$0x0];
	_ =	sdelay $0x4  }
0x128: {  	v0 =	vpsel !p6, $0x0, v0  }
0x129: {  	[tilespmem:s15+$0xB5C0] =	vst v0  }
0x12a: {  	v0 =	vld [tilespmem:s31+$0x0];
	_ =	sdelay $0x4  }
0x12b: {  	[tilespmem:s15+$0xB9C0] =	vst v0  }
0x12c: {  	v0 =	vld [tilespmem:s16+$0x10];
	_ =	sdelay $0x4  }
0x12d: {  	v0 =	vmul.f32 v0, v1;
	_ =	sdelay $0x1  }
0x12e: {  	[tilespmem:s15+$0xB1D0] =	vst v0  }
0x12f: {  	v0 =	vld [tilespmem:s30+$0x10];
	_ =	sdelay $0x4  }
0x130: {  	v0 =	vpsel !p6, $0x0, v0  }
0x131: {  	[tilespmem:s15+$0xB5D0] =	vst v0  }
0x132: {  	v0 =	vld [tilespmem:s31+$0x10];
	_ =	sdelay $0x4  }
0x133: {  	[tilespmem:s15+$0xB9D0] =	vst v0  }
0x134: {  	v0 =	vld [tilespmem:s16+$0x20];
	_ =	sdelay $0x4  }
0x135: {  	v0 =	vmul.f32 v0, v1;
	_ =	sdelay $0x1  }
0x136: {  	[tilespmem:s15+$0xB1E0] =	vst v0  }
0x137: {  	v0 =	vld [tilespmem:s30+$0x20];
	_ =	sdelay $0x4  }
0x138: {  	v0 =	vpsel !p6, $0x0, v0  }
0x139: {  	[tilespmem:s15+$0xB5E0] =	vst v0  }
0x13a: {  	v0 =	vld [tilespmem:s31+$0x20];
	_ =	sdelay $0x4  }
0x13b: {  	[tilespmem:s15+$0xB9E0] =	vst v0  }
0x13c: {  	v0 =	vld [tilespmem:s16+$0x30];
	_ =	sdelay $0x4  }
0x13d: {  	v0 =	vmul.f32 v0, v1;
	_ =	sdelay $0x1  }
0x13e: {  	[tilespmem:s15+$0xB1F0] =	vst v0  }
0x13f: {  	v0 =	vld [tilespmem:s30+$0x30];
	_ =	sdelay $0x4  }
0x140: {  	v0 =	vpsel !p6, $0x0, v0  }
0x141: {  	[tilespmem:s15+$0xB5F0] =	vst v0  }
0x142: {  	v0 =	vld [tilespmem:s31+$0x30];
	_ =	sdelay $0x3  }
0x143: {  	s12 =	sadd.s32 $0x1, s12  }
0x144: {  	p0 =	sne.s32 s12, s7;
	[tilespmem:s15+$0xB9F0] =	vst v0  }
0x145: {  	[hbm4b:s6+s3] =	stream.linear.scatter [tilespmem:s11], [sflag:$0x1], $0x3000, $0x38;
	[tilespmem:$0xE180] =	vst v63  }
.Ltmp3:
0x146: {  	_ = 	snop;
	(pc) =	sbr.rel @p0 .LBB2_1-.Ltmp3, $4  }
.Ltmp4:
0x147: {  	_ = 	snop;
	(pc) =	sbr.rel @!p0 .LBB2_22-.Ltmp4, $4  }
0x148: {  	_ =	swait.ge [sflag:s9], $0x3000  }
0x149: {  	[sflag:s9] =	ssyncset.done $0x0  }
0x14a: {  	[sflag:s9] =	ssyncadd.s32 $0xFFFFD000  }
0x14b: {  	_ = 	snop  }
.LBB2_18:
0x14c: {  	s17 =	sadd.s32 $0x1, s17  }
0x14d: {  	p0 =	sne.s32 s17, s14  }
.Ltmp5:
0x14e: {  	_ = 	snop;
	(pc) =	sbr.rel @!p0 .LBB2_19-.Ltmp5, $2  }
0x14f: {  	_ =	sdelay $0x2  }
0x150: {  	s16 =	sadd.s32 $0x100, s16  }
.LBB2_4:
0x151: {  	s18 =	sshll.u32 s17, $0x8  }
0x152: {  	s18 =	sadd.s32 s13, s18  }
0x153: {  	p0 =	slt.s32 s18, $0x185A0;
	s19 =	smov.u32 s18  }
0x154: {  	s20 =	smov.u32 s16;
	s19 =	simm.s32 @!p0 $0x185A0;
	p0 =	slt.s32 s16, $0x185A0  }
0x155: {  	s20 =	simm.s32 @!p0 $0x185A0;
	s21 =	sshll.u32 s19, $0x4  }
.Ltmp6:
0x156: {  	s20 =	sshll.u32 s20, $0x9;
	s21 =	sadd.s32 s1, s21;
	(pc) =	sbr.rel .LBB2_5-.Ltmp6, $4  }
0x157: {  	[tilespmem:s15], [sflag:$0x1] =	stream.linear.gather [hbm4b:s21+s15], $0x8000, $0x38;
	[tilespmem:$0xE180] =	vst v63  }
0x158: {  	s20 =	ssub.s32 $0x0, s20;
	_ =	swait.ge [sflag:s9], $0x8000  }
0x159: {  	s19 =	sadd.s32 $0x100, s19;
	s20 =	sshra.s32 s20, $0x2;
	[sflag:s9] =	ssyncset.done $0x0  }
0x15a: {  	s21 =	simm.s32 $0x0;
	s20 =	sor.u32 $0x40, s20;
	[sflag:s9] =	ssyncadd.s32 $0xFFFF8000  }
.LBB2_7:
0x15b: {  	_ = 	snop  }
0x15c: {  	_ = 	snop  }
0x15d: {  	_ = 	snop  }
0x15e: {  	v48 =	vimm.f32 $0.0e+00  }
0x15f: {  	v52 =	vimm.f32 $0.0e+00;
	v23 =	vimm.f32 $-3.000000010e+38;
	v12 =	vimm.f32 $-3.000000010e+38  }
0x160: {  	v42 =	vmovc v54;
	v54 =	vimm.f32 $0.0e+00;
	v36 =	vmovc v55;
	v55 =	vimm.f32 $0.0e+00;
	v25 =	vimm.f32 $0.0e+00  }
0x161: {  	v18 =	vimm.f32 $0.0e+00;
	v19 =	vimm.f32 $0.0e+00;
	v14 =	vimm.f32 $0.0e+00;
	v57 =	vmovc v37;
	v56 =	vmovc v39  }
0x162: {  	v45 =	vmovc v43;
	v35 =	vmovc v51;
	v17 =	vimm.f32 $-3.000000010e+38;
	v15 =	vimm.f32 $-3.000000010e+38;
	v49 =	vimm.f32 $0.0e+00  }
0x163: {  	v34 =	vmovc v38;
	v33 =	vmovc v63;
	v63 =	vimm.f32 $0.0e+00;
	v51 =	vimm.f32 $0.0e+00;
	v0 =	vimm.f32 $0.0e+00  }
.LBB2_16:
0x164: {  	_ = 	snop  }
0x165: {  	v1 =	vadd.f32 v61, v1;
	_ =	sdelay $0x1  }
0x166: {  	v1 =	vadd.f32 v62, v1  }
0x167: {  	v4 =	vadd.f32 @p0 v32, v8  }
0x168: {  	(xrf2) =	vadd.scan.msk.f32 $0xffff, v1  }
0x169: {  	v1 =	vsub.f32 @p0 $0.0e+00, v4;
	_ =	sdelay $0x1  }
0x16a: {  	v1 =	vmul.f32 @p0 $1.442695020e+00, v1  }
0x16b: {  	(erf) = vrcp.f32 @p1 v11  }
0x16c: {  	(erf) = vpow2.f32 @p0 v1;
	_ =	sdelay $0x4  }
0x16d: {  	v1, _, _ =	vpop (xrf2)  }
0x16e: {  	v1 =	vbroadcast v1, $0xF;
	_ =	sdelay $0x1  }
0x16f: {  	v4 =	vpop @p1 (erf);
	v1 =	vadd.f32 v1, v8  }
0x170: {  	v5 =	vpop @p0 (erf)  }
0x171: {  	v1 =	vsub.f32 $0.0e+00, v1;
	v5 =	vadd.f32 @p0 $1.000000000e+00, v5;
	_ =	sdelay $0x1  }
0x172: {  	v1 =	vmul.f32 $1.442695020e+00, v1;
	v5 =	vpsel p0, v5, v6  }
0x173: {  	(erf) = vrcp.f32 @p0 v5  }
0x174: {  	(erf) = vpow2.f32 v1;
	_ =	sdelay $0x2  }
0x175: {  	v32 =	vmul.f32 @p1 v4, v2;
	v2 =	vld [tilespmem:$0x1FEC0];
	_ =	sdelay $0x4  }
0x176: {  	v6 =	vadd.f32 @p2 v38, v52;
	v38 =	vmul.f32 @p1 v4, v2;
	v1 =	vmov @p1 v7;
	v11 =	vpop @p0 (erf)  }
0x177: {  	v8 =	vadd.f32 @p2 v37, v55;
	v7 =	vadd.f32 @p2 v39, v54;
	v39 =	vmul.f32 @p1 v4, v1;
	v55 =	vpop (erf)  }
0x178: {  	v5 =	vadd.f32 @p2 v26, v48;
	v26 =	vmul.f32 @p1 v4, v47;
	v37 =	vadd.f32 $1.000000000e+00, v55  }
0x179: {  	v2 =	vld [tilespmem:$0x1FF30]  }
0x17a: {  	v0 =	vadd.f32 @p1 v38, v0;
	v1 =	vadd.f32 @p1 v26, v49;
	v38 =	vmovc @p1 v43;
	v43 =	vmov @p1 v59  }
0x17b: {  	v26 =	vadd.f32 @p1 v32, v63;
	v38 =	vmul.f32 @p1 v4, v38;
	v32 =	vadd.f32 @p1 v39, v51;
	v39 =	vmovc @p1 v58  }
0x17c: {  	v39 =	vmul.f32 @p1 v4, v39;
	(erf) = vrcp.f32 v37;
	v37 =	vmov @p1 v60  }
0x17d: {  	v37 =	vmul.f32 @p1 v4, v37;
	v4 =	vmul.f32 @p1 v4, v43;
	v43 =	vmov @p0 v3  }
0x17e: {  	v43 =	vpsel p0, v43, v2;
	v2 =	vld [tilespmem:$0x1FF40];
	_ =	sdelay $0x4  }
0x17f: {  	v31 =	vpsel p0, v31, v2;
	v2 =	vld [tilespmem:$0x1FF50];
	_ =	sdelay $0x4  }
0x180: {  	v30 =	vpsel p0, v30, v2;
	v2 =	vld [tilespmem:$0x1FF60];
	_ =	sdelay $0x1  }
0x181: {  	s22 =	sshll.u32 s21, $0x7  }
0x182: {  	v62 =	vld [tilespmem:s22+$0x9180];
	_ =	sdelay $0x1  }
0x183: {  	v46 =	vpsel p0, v46, v2;
	v2 =	vld [tilespmem:$0x1FF20];
	_ =	sdelay $0x1  }
0x184: {  	v47 =	vimm.f32 $0.0e+00;
	v63 =	vld [tilespmem:s22+$0x8190]  }
0x185: {  	v24 =	vmax.f32 v62, v24;
	v6 =	vpsel p2, v6, v47;
	v8 =	vpsel p2, v8, v47;
	v51 =	vld [tilespmem:s22+$0x81B0]  }
0x186: {  	v5 =	vpsel p2, v5, v47;
	v49 =	vmax.f32 v28, v57;
	v7 =	vpsel p2, v7, v47  }
0x187: {  	v38 =	vpsel p1, v38, v0;
	v39 =	vpsel p1, v39, v0;
	v29 =	vpsel p0, v29, v2;
	v2 =	vld [tilespmem:$0x1FF10]  }
0x188: {  	v6 =	vadd.f32 @p1 v38, v6;
	v7 =	vadd.f32 @p1 v39, v7;
	v29 =	vmul.f32 @p0 v11, v29  }
0x189: {  	v26 =	vpsel p1, v26, v47;
	v32 =	vpsel p1, v32, v47;
	v22 =	vadd.f32 v63, v22;
	v60 =	vld [tilespmem:s22+$0x8180]  }
0x18a: {  	v6 =	vpsel p1, v6, v47;
	v13 =	vadd.f32 v51, v13;
	v7 =	vpsel p1, v7, v47  }
0x18b: {  	v37 =	vpsel p1, v37, v0;
	v4 =	vpsel p1, v4, v0;
	v0 =	vpsel p1, v0, v47  }
0x18c: {  	v61 =	vld [tilespmem:s22+$0xA180];
	v5 =	vadd.f32 @p1 v37, v5;
	v26 =	vadd.f32 @p0 v29, v26;
	v40 =	vpsel p0, v40, v2;
	v29 =	vpop (erf)  }
0x18d: {  	v39 =	vmovc @p0 v43;
	v4 =	vadd.f32 @p1 v4, v8;
	v8 =	vmul.f32 v29, v34;
	v34 =	vmul.f32 @p0 v11, v40  }
0x18e: {  	v48 =	vld [tilespmem:s22+$0xA1A0];
	v39 =	vmul.f32 @p0 v11, v39;
	v27 =	vadd.f32 v60, v27;
	v26 =	vpsel p0, v26, v47  }
0x18f: {  	v43 =	vld [tilespmem:s22+$0xA190];
	v31 =	vmul.f32 @p0 v11, v31;
	v8 =	vadd.f32 v8, v26;
	v0 =	vadd.f32 @p0 v34, v0  }
0x190: {  	[tilespmem:s22+$0x9180] =	vst v24;
	v32 =	vadd.f32 @p0 v39, v32;
	v5 =	vpsel p1, v5, v47;
	v2 =	vld [tilespmem:$0x1FF00];
	v33 =	vmul.f32 v29, v33  }
0x191: {  	v34 =	vmovc @p0 v44;
	v8 =	vadd.f32 v61, v8;
	v44 =	vld [tilespmem:s22+$0x9190];
	v31 =	vpsel p0, v31, v0;
	v0 =	vpsel p0, v0, v47  }
0x192: {  	v24 =	vmovc @p0 v30;
	v5 =	vadd.f32 @p0 v31, v5;
	v31 =	vmul.f32 v29, v36;
	v0 =	vadd.f32 v33, v0  }
0x193: {  	v30 =	vld [tilespmem:s22+$0x91A0];
	v24 =	vmul.f32 @p0 v11, v24;
	v26 =	vmov @p0 v46;
	[tilespmem:s22+$0xA180] =	vst v8;
	v8 =	vpsel p0, v32, v47  }
0x194: {  	v52 =	vld [tilespmem:s22+$0xA1B0];
	[tilespmem:s22+$0x8190] =	vst v22;
	v26 =	vmul.f32 @p0 v11, v26;
	v8 =	vadd.f32 v31, v8;
	v0 =	vadd.f32 v43, v0  }
0x195: {  	[tilespmem:s22+$0x8180] =	vst v27;
	v27 =	vld [tilespmem:s22+$0x81A0];
	v34 =	vpsel p0, v34, v2;
	v2 =	vmul.f32 v29, v57;
	v5 =	vpsel p0, v5, v47  }
0x196: {  	v54 =	vld [tilespmem:s22+$0x81C0];
	v21 =	vmax.f32 v44, v21;
	[tilespmem:s22+$0xA190] =	vst v0;
	v0 =	vpsel p0, v24, v0;
	v8 =	vadd.f32 v48, v8  }
0x197: {  	v60 =	vld [tilespmem:$0x1FEF0];
	v2 =	vadd.f32 v2, v5;
	[tilespmem:s22+$0x9190] =	vst v21;
	v21 =	vpsel p0, v26, v0;
	v0 =	vadd.f32 @p0 v0, v6  }
0x198: {  	v5 =	vmov @p0 v34;
	v6 =	vadd.f32 @p0 v21, v7;
	v7 =	vld [tilespmem:s22+$0x91B0];
	[tilespmem:s22+$0xA1A0] =	vst v8;
	v8 =	vmax.f32 v30, v16  }
0x199: {  	v55 =	vmax.f32 v23, v56;
	v4 =	vpsel p1, v4, v47;
	v5 =	vmul.f32 @p0 v11, v5;
	[tilespmem:s22+$0x91A0] =	vst v8;
	v8 =	vld [tilespmem:s22+$0xA1C0]  }
0x19a: {  	v59 =	vld [tilespmem:s22+$0x81D0];
	v23 =	vmovc @p0 v41;
	v20 =	vadd.f32 v27, v20;
	v3 =	vmul.f32 v29, v56;
	v57 =	vadd.f32 v56, v25  }
0x19b: {  	v58 =	vld [tilespmem:s22+$0x91C0];
	[tilespmem:s22+$0x81B0] =	vst v13;
	v2 =	vadd.f32 v52, v2;
	v5 =	vpsel p0, v5, v0;
	v0 =	vpsel p0, v0, v47  }
0x19c: {  	v23 =	vpsel p0, v23, v60;
	[tilespmem:s22+$0x81A0] =	vst v20;
	v4 =	vadd.f32 @p0 v5, v4;
	v0 =	vadd.f32 v3, v0;
	v3 =	vld [tilespmem:s22+$0xA1D0]  }
0x19d: {  	v61 =	vld [tilespmem:s22+$0x91D0];
	[tilespmem:s22+$0xA1B0] =	vst v2;
	v5 =	vmul.f32 v29, v45;
	v2 =	vmax.f32 v7, v49;
	v7 =	vadd.f32 v54, v57  }
0x19e: {  	v6 =	vpsel p0, v6, v47;
	[tilespmem:s22+$0x91B0] =	vst v2;
	v2 =	vadd.f32 v45, v18;
	v0 =	vadd.f32 v8, v0;
	v8 =	vld [tilespmem:s22+$0x81E0]  }
0x19f: {  	v62 =	vmul.f32 v29, v42;
	v11 =	vmul.f32 @p0 v11, v23;
	v5 =	vadd.f32 v5, v6;
	[tilespmem:s22+$0x81C0] =	vst v7;
	v7 =	vld [tilespmem:s22+$0xA1E0]  }
0x1a0: {  	v63 =	vld [tilespmem:s22+$0x91E0];
	v6 =	vadd.f32 v42, v19;
	[tilespmem:s22+$0xA1C0] =	vst v0;
	v0 =	vmax.f32 v58, v55;
	v2 =	vadd.f32 v59, v2  }
0x1a1: {  	v3 =	vadd.f32 v3, v5;
	[tilespmem:s22+$0x91C0] =	vst v0;
	v0 =	vpsel p1, v1, v47;
	v1 =	vpsel p0, v4, v47;
	v4 =	vld [tilespmem:s22+$0x81F0]  }
0x1a2: {  	v5 =	vmax.f32 v12, v45;
	v0 =	vadd.f32 @p0 v11, v0;
	v1 =	vadd.f32 v62, v1;
	[tilespmem:s22+$0x81D0] =	vst v2;
	v2 =	vld [tilespmem:s22+$0xA1F0]  }
0x1a3: {  	v48 =	vld [tilespmem:$0x1FF90];
	[tilespmem:s22+$0xA1D0] =	vst v3;
	v3 =	vmax.f32 v61, v5;
	v5 =	vadd.f32 v8, v6;
	v6 =	vmul.f32 v29, v35  }
0x1a4: {  	[tilespmem:s22+$0x91D0] =	vst v3;
	v3 =	vadd.f32 v35, v14;
	v0 =	vpsel p0, v0, v47;
	v1 =	vadd.f32 v7, v1;
	v7 =	vld [tilespmem:s22+$0x91F0]  }
0x1a5: {  	v8 =	vmax.f32 v17, v42;
	v29 =	vld [tilespmem:$0x1FF70];
	v0 =	vadd.f32 v6, v0;
	[tilespmem:s22+$0x81E0] =	vst v5  }
0x1a6: {  	v5 =	vld [tilespmem:$0x1FFC0];
	[tilespmem:s22+$0xA1E0] =	vst v1;
	v1 =	vmax.f32 v63, v8;
	v3 =	vadd.f32 v4, v3  }
0x1a7: {  	v8 =	vld [tilespmem:$0x1FFD0];
	[tilespmem:s22+$0x91E0] =	vst v1;
	v0 =	vadd.f32 v2, v0  }
0x1a8: {  	v1 =	vmax.f32 v15, v35;
	v35 =	vld [tilespmem:$0x1FF80];
	[tilespmem:s22+$0x81F0] =	vst v3  }
0x1a9: {  	v2 =	vld [tilespmem:$0x1FFB0];
	[tilespmem:s22+$0xA1F0] =	vst v0;
	v0 =	vmax.f32 v7, v1  }
0x1aa: {  	v3 =	vld [tilespmem:$0x1FFA0];
	[tilespmem:s22+$0x91F0] =	vst v0  }
.LBB2_17:
0x1ab: {  	s21 =	sadd.s32 $0x1, s21  }
0x1ac: {  	p0 =	sne.s32 s21, $0x20  }
.Ltmp7:
0x1ad: {  	_ = 	snop;
	(pc) =	sbr.rel @!p0 .LBB2_18-.Ltmp7, $1  }
0x1ae: {  	_ =	sdelay $0x3  }
.LBB2_5:
0x1af: {  	s24 =	sld [smem:s21+$0x0]  }
0x1b0: {  	s25 =	sld [smem:s21+$0x1];
	_ =	sdelay $0x1  }
0x1b1: {  	s23 =	smov.u32 s18  }
0x1b2: {  	s22 =	smov.u32 s19;
	p0 =	sgt.s32 s24, s18;
	p1 =	slt.s32 s25, s19  }
0x1b3: {  	s23 =	smov.u32 @p0 s24;
	s22 =	smov.u32 @p1 s25  }
0x1b4: {  	p0 =	sge.s32 s23, s22  }
.Ltmp8:
0x1b5: {  	_ = 	snop;
	(pc) =	sbr.rel @p0 .LBB2_17-.Ltmp8, $1  }
0x1b6: {  	_ =	sdelay $0x3  }
0x1b7: {  	p0 =	sgt.s32 s24, s16;
	s25 =	smov.u32 s16  }
0x1b8: {  	s25 =	smov.u32 @p0 s24  }
0x1b9: {  	s24 =	sshll.u32 s25, $0x9  }
0x1ba: {  	s24 =	sshra.s32 s24, $0x2  }
0x1bb: {  	s31 =	sadd.s32 s24, s20  }
0x1bc: {  	v38 =	vld [tilespmem:s31+$0xFFFFFFC0]  }
0x1bd: {  	v63 =	vld [tilespmem:s31+$0xFFFFFFD0];
	_ =	sdelay $0x1  }
0x1be: {  	v55 =	vld [tilespmem:s31+$0xFFFFFFE0];
	_ =	sdelay $0x1  }
0x1bf: {  	v37 =	vld [tilespmem:s31+$0xFFFFFFF0]  }
0x1c0: {  	v0 =	vmul.f32 v38, v29;
	v1 =	vmul.f32 v63, v9  }
0x1c1: {  	v39 =	vld [tilespmem:s31+$0x0]  }
0x1c2: {  	v0 =	vadd.f32 v1, v0;
	v1 =	vmul.f32 v55, v10  }
0x1c3: {  	v43 =	vld [tilespmem:s31+$0x10]  }
0x1c4: {  	s24 =	sadd.s32 $0x1, s23;
	v54 =	vld [tilespmem:s31+$0x20];
	v0 =	vadd.f32 v1, v0;
	v1 =	vmul.f32 v37, v35  }
0x1c5: {  	v52 =	vimm.f32 $0.0e+00;
	v51 =	vld [tilespmem:s31+$0x30];
	p3 =	slt.s32 s24, s22  }
.Ltmp9:
0x1c6: {  	v28 =	vimm.f32 $-3.000000010e+38;
	v0 =	vadd.f32 v1, v0;
	v1 =	vmul.f32 v39, v48;
	(pc) =	sbr.rel @!p3 .LBB2_7-.Ltmp9, $4  }
0x1c7: {  	v27 =	vadd.f32 v38, v52;
	v22 =	vadd.f32 v63, v52;
	v24 =	vmax.f32 v28, v38  }
0x1c8: {  	v21 =	vmax.f32 v28, v63;
	v0 =	vadd.f32 v1, v0;
	v1 =	vmul.f32 v43, v3  }
0x1c9: {  	p1 =	por $0x0, $0x0;
	v20 =	vadd.f32 v55, v52;
	v16 =	vmax.f32 v28, v55;
	v13 =	vadd.f32 v37, v52  }
0x1ca: {  	p2 =	por $0x0, $0x0;
	p0 =	por $0x0, $0x0;
	s23 =	sadd.s32 $0x80, s31;
	v61 =	vmul.f32 v54, v2;
	v62 =	vmul.f32 v51, v5;
	v1 =	vadd.f32 v1, v0  }
0x1cb: {  	v34 =	vld [tilespmem:s23+$0xFFFFFFC0]  }
0x1cc: {  	v33 =	vld [tilespmem:s23+$0xFFFFFFD0];
	v0 =	vadd.f32 v61, v1;
	_ =	sdelay $0x1  }
0x1cd: {  	v36 =	vld [tilespmem:s23+$0xFFFFFFE0];
	v0 =	vadd.f32 v62, v0;
	_ =	sdelay $0x1  }
0x1ce: {  	v57 =	vld [tilespmem:s23+$0xFFFFFFF0];
	(xrf2) =	vadd.scan.msk.f32 $0xffff, v0  }
0x1cf: {  	v1 =	vmul.f32 v34, v29;
	v11 =	vmul.f32 v33, v9  }
0x1d0: {  	v56 =	vld [tilespmem:s23+$0x0];
	v23 =	vmax.f32 v28, v39  }
0x1d1: {  	v25 =	vadd.f32 v39, v52;
	v1 =	vadd.f32 v11, v1;
	v11 =	vmul.f32 v36, v10  }
0x1d2: {  	v12 =	vmax.f32 v28, v43;
	v18 =	vadd.f32 v43, v52;
	v46 =	vld [tilespmem:s23+$0x10];
	v19 =	vadd.f32 v54, v52  }
0x1d3: {  	v44 =	vld [tilespmem:s23+$0x20];
	v14 =	vadd.f32 v51, v52;
	s25 =	sadd.s32 $0x1, s24;
	v1 =	vadd.f32 v11, v1;
	v11 =	vmul.f32 v57, v35  }
0x1d4: {  	v47 =	vld [tilespmem:s23+$0x30];
	v17 =	vmax.f32 v28, v54;
	v15 =	vmax.f32 v28, v51;
	p3 =	slt.s32 s25, s22;
	v0 =	vmax.f32 v28, v37  }
.Ltmp10:
0x1d5: {  	v27 =	vadd.f32 v34, v27;
	v1 =	vadd.f32 v11, v1;
	v11 =	vmul.f32 v56, v48;
	(pc) =	sbr.rel @!p3 .LBB2_9-.Ltmp10, $4  }
0x1d6: {  	v22 =	vadd.f32 v33, v22;
	v24 =	vmax.f32 v24, v34;
	v21 =	vmax.f32 v21, v33  }
0x1d7: {  	v20 =	vadd.f32 v36, v20;
	v1 =	vadd.f32 v11, v1;
	v11 =	vmul.f32 v46, v3  }
0x1d8: {  	v16 =	vmax.f32 v16, v36;
	v13 =	vadd.f32 v57, v13;
	v61 =	vmul.f32 v44, v2;
	v26, _, _ =	vpop (xrf2)  }
0x1d9: {  	s24 =	sadd.s32 $0x80, s23;
	p0 =	por $0x1, $0x1;
	v62 =	vmul.f32 v47, v5;
	v1 =	vadd.f32 v11, v1;
	v32 =	vbroadcast v26, $0xF  }
0x1da: {  	_ = 	snop  }
0x1db: {  	v53 =	vld [tilespmem:s24+$0xFFFFFFC0];
	v1 =	vadd.f32 v61, v1;
	v11 =	vadd.f32 v32, v8  }
0x1dc: {  	v50 =	vld [tilespmem:s24+$0xFFFFFFD0]  }
0x1dd: {  	v1 =	vadd.f32 v62, v1;
	v11 =	vsub.f32 $0.0e+00, v11  }
0x1de: {  	v60 =	vld [tilespmem:s24+$0xFFFFFFE0]  }
0x1df: {  	(xrf2) =	vadd.scan.msk.f32 $0xffff, v1;
	v1 =	vmul.f32 $1.442695020e+00, v11  }
0x1e0: {  	v58 =	vld [tilespmem:s24+$0xFFFFFFF0];
	v11 =	vmul.f32 v53, v29  }
0x1e1: {  	v26 =	vmul.f32 v50, v9;
	(erf) = vpow2.f32 v1  }
0x1e2: {  	v59 =	vld [tilespmem:s24+$0x0];
	[tilespmem:$0x1FED0] =	vst v57;
	v28 =	vmax.f32 v0, v57;
	v23 =	vmax.f32 v23, v56  }
0x1e3: {  	[tilespmem:$0x1FEE0] =	vst v56;
	v25 =	vadd.f32 v56, v25;
	v57 =	vld [tilespmem:s24+$0x10];
	v1 =	vadd.f32 v26, v11;
	v11 =	vmul.f32 v60, v10  }
0x1e4: {  	v18 =	vadd.f32 v46, v18;
	v12 =	vmax.f32 v12, v46;
	v19 =	vadd.f32 v44, v19;
	v56 =	vld [tilespmem:s24+$0x20];
	[tilespmem:$0x1FEF0] =	vst v51  }
0x1e5: {  	v41 =	vld [tilespmem:s24+$0x30];
	v14 =	vadd.f32 v47, v14;
	s23 =	sadd.s32 $0x1, s25;
	[tilespmem:$0x1FF00] =	vst v54;
	v0 =	vadd.f32 v11, v1;
	v1 =	vmul.f32 v58, v35  }
0x1e6: {  	v17 =	vmax.f32 v17, v44;
	v15 =	vmax.f32 v15, v47;
	[tilespmem:$0x1FF10] =	vst v63;
	p3 =	slt.s32 s23, s22;
	v27 =	vadd.f32 v53, v27  }
.Ltmp11:
0x1e7: {  	[tilespmem:$0x1FF20] =	vst v38;
	v22 =	vadd.f32 v50, v22;
	v0 =	vadd.f32 v1, v0;
	v1 =	vmul.f32 v59, v48;
	(pc) =	sbr.rel @!p3 .LBB2_11-.Ltmp11, $4  }
0x1e8: {  	[tilespmem:$0x1FF30] =	vst v55;
	v24 =	vmax.f32 v24, v53;
	v21 =	vmax.f32 v21, v50;
	v20 =	vadd.f32 v60, v20  }
0x1e9: {  	[tilespmem:$0x1FF40] =	vst v37;
	v16 =	vmax.f32 v16, v60;
	v0 =	vadd.f32 v1, v0;
	v1 =	vmul.f32 v57, v3;
	v11, _, _ =	vpop (xrf2)  }
0x1ea: {  	[tilespmem:$0x1FF50] =	vst v39;
	v13 =	vadd.f32 v58, v13;
	v61 =	vmul.f32 v56, v2;
	v62 =	vmul.f32 v41, v5;
	v26 =	vpop (erf)  }
0x1eb: {  	s24 =	sadd.s32 $0x80, s24;
	p1 =	por $0x1, $0x1;
	[tilespmem:$0x1FF60] =	vst v43;
	v1 =	vadd.f32 v1, v0;
	v32 =	vbroadcast v11, $0xF;
	v6 =	vadd.f32 $1.000000000e+00, v26  }
0x1ec: {  	v40 =	vld [tilespmem:s24+$0xFFFFFFC0]  }
0x1ed: {  	v4 =	vmovc v9;
	v9 =	vmovc v43;
	v43 =	vld [tilespmem:s24+$0xFFFFFFD0];
	v0 =	vadd.f32 v61, v1;
	v1 =	vadd.f32 v32, v8;
	(erf) = vrcp.f32 v6;
	_ =	sdelay $0x1  }
0x1ee: {  	v28 =	vmax.f32 v28, v58;
	v31 =	vld [tilespmem:s24+$0xFFFFFFE0];
	v0 =	vadd.f32 v62, v0;
	v1 =	vsub.f32 $0.0e+00, v1  }
0x1ef: {  	v23 =	vmax.f32 v23, v59;
	v12 =	vmax.f32 v12, v57;
	v25 =	vadd.f32 v59, v25  }
0x1f0: {  	v18 =	vadd.f32 v57, v18;
	v30 =	vld [tilespmem:s24+$0xFFFFFFF0];
	v19 =	vadd.f32 v56, v19;
	(xrf2) =	vadd.scan.msk.f32 $0xffff, v0;
	v0 =	vmul.f32 $1.442695020e+00, v1  }
0x1f1: {  	v14 =	vadd.f32 v41, v14;
	v1 =	vmul.f32 v40, v29;
	v11 =	vmul.f32 v43, v4  }
0x1f2: {  	v17 =	vmax.f32 v17, v56;
	v15 =	vmax.f32 v15, v41;
	v27 =	vadd.f32 v40, v27;
	v29 =	vld [tilespmem:s24+$0x0]  }
0x1f3: {  	(erf) = vpow2.f32 v0;
	v0 =	vadd.f32 v11, v1;
	v1 =	vmul.f32 v31, v10  }
0x1f4: {  	v26 =	vmovc v37;
	v42 =	vld [tilespmem:s24+$0x20];
	v22 =	vadd.f32 v43, v22;
	v24 =	vmax.f32 v24, v40;
	v21 =	vmax.f32 v21, v43  }
0x1f5: {  	v45 =	vld [tilespmem:s24+$0x10];
	v20 =	vadd.f32 v31, v20;
	v0 =	vadd.f32 v1, v0;
	v1 =	vmul.f32 v30, v35;
	v37 =	vpop (erf)  }
0x1f6: {  	v16 =	vmax.f32 v16, v31;
	v11 =	vmul.f32 v37, v51;
	v62 =	vmul.f32 v37, v38  }
0x1f7: {  	v61 =	vmovc v39;
	v0 =	vadd.f32 v1, v0;
	v1 =	vmul.f32 v29, v48;
	v39 =	vmul.f32 v37, v63  }
0x1f8: {  	s23 =	sadd.s32 $0x1, s23;
	v13 =	vadd.f32 v30, v13;
	v48 =	vmul.f32 v37, v55;
	v26 =	vmul.f32 v37, v26  }
0x1f9: {  	p3 =	slt.s32 s23, s22;
	v10 =	vmovc v35;
	v35 =	vld [tilespmem:s24+$0x30];
	v38 =	vmul.f32 v37, v61;
	v61 =	vmul.f32 v42, v2;
	v49 =	vadd.f32 v11, v52  }
.Ltmp12:
0x1fa: {  	v1 =	vadd.f32 v1, v0;
	v11 =	vmul.f32 v45, v3;
	v63 =	vadd.f32 v62, v52;
	(pc) =	sbr.rel @!p3 .LBB2_13-.Ltmp12, $4  }
0x1fb: {  	v0 =	vadd.f32 v39, v52;
	v39 =	vmul.f32 v37, v9;
	v51 =	vadd.f32 v48, v52  }
0x1fc: {  	v37 =	vmul.f32 v37, v54;
	v48 =	vimm.f32 $0.0e+00;
	v52 =	vimm.f32 $0.0e+00;
	v55, _, _ =	vpop (xrf2)  }
0x1fd: {  	v2 =	vld [tilespmem:$0x1FEE0];
	v54 =	vimm.f32 $0.0e+00;
	v1 =	vadd.f32 v11, v1;
	v62 =	vpop (erf);
	v32 =	vbroadcast v55, $0xF  }
0x1fe: {  	p2 =	por $0x1, $0x1;
	[tilespmem:$0x1FEB0] =	vst v6;
	s24 =	sadd.s32 $0x80, s24;
	v9 =	vmovc v5;
	v3 =	vld [tilespmem:$0x1FED0];
	v55 =	vimm.f32 $0.0e+00;
	v11 =	vadd.f32 $1.000000000e+00, v62;
	v62 =	vmul.f32 v35, v5  }
.LBB2_14:
0x1ff: {  	_ =	sdelay $0x3  }
0x200: {  	v7 =	vadd.f32 v32, v8  }
0x201: {  	v4 =	vld [tilespmem:s24+$0xFFFFFFC0]  }
0x202: {  	v48 =	vadd.f32 v26, v48;
	v26 =	vsub.f32 $0.0e+00, v7;
	v7 =	vld [tilespmem:$0x1FF70];
	_ =	sdelay $0x3  }
0x203: {  	v6 =	vld [tilespmem:s24+$0xFFFFFFD0]  }
0x204: {  	v8 =	vmul.f32 $1.442695020e+00, v26;
	v26 =	vmul.f32 v4, v7;
	v7 =	vld [tilespmem:$0x1FFF0];
	_ =	sdelay $0x2  }
0x205: {  	v1 =	vadd.f32 v61, v1;
	(erf) = vrcp.f32 v11  }
0x206: {  	v11 =	vmov v36;
	v36 =	vmov v60;
	v60 =	vmov v31;
	v31 =	vld [tilespmem:s24+$0xFFFFFFE0]  }
0x207: {  	v1 =	vadd.f32 v62, v1;
	v62 =	vmul.f32 v6, v7;
	v7 =	vld [tilespmem:$0x1FFE0]  }
0x208: {  	v5 =	vmovc v2;
	v52 =	vadd.f32 v38, v52;
	v2 =	vmov v59;
	v23 =	vmax.f32 v23, v29  }
0x209: {  	v18 =	vadd.f32 v45, v18;
	v19 =	vadd.f32 v42, v19;
	v61 =	vmovc v3;
	v3 =	vmovc v58;
	v58 =	vmov v30;
	v30 =	vld [tilespmem:s24+$0xFFFFFFF0]  }
0x20a: {  	v59 =	vmovc v29;
	v12 =	vmax.f32 v12, v45;
	v29 =	vld [tilespmem:s24+$0x0];
	v14 =	vadd.f32 v35, v14;
	v54 =	vadd.f32 v39, v54  }
0x20b: {  	v55 =	vadd.f32 v37, v55;
	v25 =	vadd.f32 v59, v25;
	(xrf2) =	vadd.scan.msk.f32 $0xffff, v1;
	(erf) = vpow2.f32 v8;
	v8 =	vld [tilespmem:$0x1FF90]  }
0x20c: {  	v37 =	vmovc v44;
	v44 =	vmovc v56;
	v56 =	vmov v42;
	v26 =	vadd.f32 v62, v26;
	v62 =	vmul.f32 v31, v7  }
0x20d: {  	v28 =	vmax.f32 v28, v58;
	v17 =	vmax.f32 v17, v56;
	v32 =	vmovc v46;
	v46 =	vmovc v57;
	v57 =	vmov v45  }
0x20e: {  	v27 =	vadd.f32 v4, v27;
	v7 =	vpop (erf);
	v26 =	vadd.f32 v62, v26;
	v62 =	vmul.f32 v30, v10  }
0x20f: {  	v42 =	vld [tilespmem:s24+$0x20];
	v22 =	vadd.f32 v6, v22;
	v24 =	vmax.f32 v24, v4;
	v1 =	vmovc v41;
	v39 =	vmul.f32 v7, v47  }
0x210: {  	v45 =	vld [tilespmem:s24+$0x10];
	v47 =	vmovc v1;
	v1 =	vmul.f32 v7, v34;
	v38 =	vadd.f32 v62, v26;
	v62 =	vmul.f32 v29, v8  }
0x211: {  	v21 =	vmax.f32 v21, v6;
	v20 =	vadd.f32 v31, v20;
	v34 =	vmovc v53;
	v53 =	vmovc v40;
	v40 =	vmov v4;
	v4 =	vld [tilespmem:$0x1FFA0]  }
0x212: {  	s23 =	sadd.s32 $0x1, s23;
	v63 =	vadd.f32 v1, v63;
	v1 =	vadd.f32 v62, v38;
	v38 =	vmul.f32 v7, v5;
	v5 =	vld [tilespmem:$0x1FFB0]  }
0x213: {  	p3 =	slt.s32 s23, s22;
	v16 =	vmax.f32 v16, v31;
	v13 =	vadd.f32 v30, v13;
	v41 =	vmovc v35;
	v35 =	vld [tilespmem:s24+$0x30];
	v33 =	vmul.f32 v7, v33  }
.Ltmp13:
0x214: {  	v37 =	vmul.f32 v7, v37;
	v49 =	vadd.f32 v39, v49;
	v39 =	vmul.f32 v7, v32;
	(pc) =	sbr.rel @p3 .LBB2_14-.Ltmp13, $4  }
0x215: {  	v15 =	vmax.f32 v15, v41;
	v8 =	vmul.f32 v7, v11;
	v26 =	vmul.f32 v7, v61;
	v11, _, _ =	vpop (xrf2)  }
0x216: {  	v0 =	vadd.f32 v33, v0;
	v32 =	vbroadcast v11, $0xF;
	v4 =	vmul.f32 v45, v4  }
0x217: {  	v33 =	vmov v50;
	v51 =	vadd.f32 v8, v51;
	v61 =	vmul.f32 v42, v5;
	v5 =	vpop (erf)  }
0x218: {  	s24 =	sadd.s32 $0x80, s24;
	v50 =	vmovc v43;
	v43 =	vmovc v6;
	v62 =	vmul.f32 v35, v9;
	v8 =	vld [tilespmem:$0x1FFD0];
	v1 =	vadd.f32 v4, v1;
	v11 =	vadd.f32 $1.000000000e+00, v5  }
.Ltmp14:
0x219: {  	v7 =	vmov v36;
	v4 =	vmov v3;
	v5 =	vmov v2;
	(pc) =	sbr.rel .LBB2_16-.Ltmp14, $4  }
0x21a: {  	v3 =	vmovc v60;
	v36 =	vmovc v31;
	v31 =	vmov v58;
	v58 =	vmov v46;
	v2 =	vmov v30  }
0x21b: {  	v30 =	vmovc v59;
	v59 =	vmovc v44;
	v46 =	vmov v57;
	v44 =	vmov v56;
	v56 =	vmov v29;
	v9 =	vld [tilespmem:$0x1FFF0]  }
0x21c: {  	[tilespmem:$0x1FEC0] =	vst v33;
	v29 =	vmovc v53;
	v33 =	vmovc v43;
	v53 =	vimm.f32 $-3.000000010e+38;
	v10 =	vld [tilespmem:$0x1FFE0];
	v60 =	vmov v4;
	v57 =	vmov v2  }
0x21d: {  	v6 =	vld [tilespmem:$0x1FEB0];
	v43 =	vmovc v5;
	v2 =	vmovc v34;
	v34 =	vmov v40;
	v40 =	vmov v50;
	v50 =	vimm.f32 $0.0e+00  }
.LBB2_9:
0x21e: {  	_ = 	snop  }
0x21f: {  	_ = 	snop  }
0x220: {  	_ = 	snop  }
0x221: {  	_ = 	snop  }
.Ltmp15:
0x222: {  	(pc) =	sbr.rel .LBB2_16-.Ltmp15, $4  }
0x223: {  	v48 =	vimm.f32 $0.0e+00;
	v52 =	vimm.f32 $0.0e+00;
	v45 =	vmovc v46;
	v42 =	vmovc v44;
	v3 =	vmov v55  }
0x224: {  	v31 =	vmovc v37;
	v30 =	vmovc v39;
	v44 =	vmov v54;
	v54 =	vimm.f32 $0.0e+00;
	v55 =	vimm.f32 $0.0e+00  }
0x225: {  	v46 =	vmovc v43;
	v35 =	vmovc v47;
	v41 =	vmov v51;
	v49 =	vimm.f32 $0.0e+00;
	v28 =	vmov v0  }
0x226: {  	v29 =	vmovc v38;
	v40 =	vmovc v63;
	v63 =	vimm.f32 $0.0e+00;
	v51 =	vimm.f32 $0.0e+00;
	v0 =	vimm.f32 $0.0e+00  }
.LBB2_11:
0x227: {  	v48 =	vimm.f32 $0.0e+00;
	v52 =	vimm.f32 $0.0e+00;
	v35 =	vmov v41  }
0x228: {  	v3 =	vmovc v36;
	v0 =	vmovc v54;
	v54 =	vimm.f32 $0.0e+00;
	v2 =	vmov v55;
	v55 =	vimm.f32 $0.0e+00  }
.Ltmp16:
0x229: {  	v41 =	vmovc v47;
	v29 =	vmovc v34;
	v49 =	vimm.f32 $0.0e+00;
	v40 =	vmov v33;
	v36 =	vmov v60;
	(pc) =	sbr.rel .LBB2_16-.Ltmp16, $4  }
0x22a: {  	v60 =	vmovc v37;
	v4 =	vmovc v43;
	v43 =	vmov v39;
	v45 =	vmov v57;
	v57 =	vmov v58  }
0x22b: {  	v42 =	vmovc v56;
	v56 =	vmovc v59;
	v47 =	vmov v51;
	[tilespmem:$0x1FEC0] =	vst v63;
	v34 =	vmov v53;
	v63 =	vimm.f32 $0.0e+00  }
0x22c: {  	v31 =	vld [tilespmem:$0x1FED0];
	v33 =	vmovc v50;
	v51 =	vimm.f32 $0.0e+00;
	v50 =	vimm.f32 $0.0e+00;
	v53 =	vimm.f32 $-3.000000010e+38;
	v11 =	vmovc v6  }
0x22d: {  	v30 =	vld [tilespmem:$0x1FEE0];
	v7 =	vmovc v2;
	v58 =	vmovc v4;
	v59 =	vmov v0;
	v0 =	vimm.f32 $0.0e+00;
	v2 =	vmov v38  }
.LBB2_13:
0x22e: {  	_ = 	snop  }
0x22f: {  	v7 =	vmov v36;
	v48 =	vimm.f32 $0.0e+00  }
.Ltmp17:
0x230: {  	v36 =	vmovc v31;
	v31 =	vmovc v58;
	v58 =	vmov v46;
	v52 =	vimm.f32 $0.0e+00;
	v54 =	vimm.f32 $0.0e+00;
	(pc) =	sbr.rel .LBB2_16-.Ltmp17, $4  }
0x231: {  	[tilespmem:$0x1FEC0] =	vst v33;
	v55 =	vimm.f32 $0.0e+00;
	v46 =	vmovc v57;
	v33 =	vmovc v43;
	v5 =	vmov v2;
	v2 =	vmov v30  }
0x232: {  	v9 =	vld [tilespmem:$0x1FFF0];
	v30 =	vmovc v59;
	v59 =	vmovc v44;
	v44 =	vmov v56;
	v56 =	vmov v29;
	v29 =	vmov v53  }
0x233: {  	v10 =	vld [tilespmem:$0x1FFE0];
	v53 =	vimm.f32 $-3.000000010e+38;
	v4 =	vmovc v3;
	v3 =	vmovc v60;
	v57 =	vmov v2;
	v43 =	vmov v5  }
0x234: {  	v6 =	vld [tilespmem:$0x1FEB0];
	v60 =	vmovc v4;
	v2 =	vmovc v34;
	v34 =	vmov v40;
	v40 =	vmov v50;
	v50 =	vimm.f32 $0.0e+00  }
.LBB2_22:
0x235: {  	_ =	sfence.sel $0x180000  }
0x236: {  	[bflag:$0x0] =	sbarrier.arrive $0xFFFF  }
0x237: {  	p0 =	sne.s32 s2, $0x0;
	_ =	strace $0x90000047  }
0x238: {  	s0 =	sadd.s32 @!p0 $0x100000, s0;
	[bflag:$0x2] =	sbarrier.arrive $0xFFFF  }
0x239: {  	[sflag:s0] =	ssyncadd.tile.s32 @!p0 $0x1;
	_ =	shalt  }
.Lfunc_end2:
_tile_overlayer_lowered:
.L_overlay_start_2:
0x23a: {  	(tag) =	ssettag $0x2  }
0x23b: {  	s0 =	rddreg [dreg:$0x0];
	s2 =	stileid.u32  }
0x23c: {  	s1 =	rddreg [dreg:$0x1];
	p0 =	sne.s32 s2, $0x0  }
0x23d: {  	s3 =	rddreg [dreg:$0x2];
	[bflag:$0x3] =	sbarrier.arrive $0xFFFF;
	s2 =	simm.s32 @!p0 $0x1C01  }
0x23e: {  	[timem:s3], [sflag:s2] =	dma.local @!p0 [hbm:s0], s1  }
0x23f: {  	s0 =	simm.s32 @!p0 $0x1  }
0x240: {  	_ =	swait.ge @!p0 [sflag:s0], s1  }
0x241: {  	s1 =	ssub.s32 @!p0 $0x0, s1;
	[sflag:s0] =	ssyncset.done @!p0 $0x0  }
0x242: {  	[sflag:s0] =	ssyncadd.s32 @!p0 s1  }
0x243: {  	[bflag:$0x3] =	sbarrier.arrive $0xFFFF  }
0x244: {  	_ =	shalt  }

</sc_bundles>
